<compile_context>
chip_gen: v7x
topology: tpu7x:2x2x1
jax: 0.10.2.dev20260603
libtpu: 0.0.44.dev20260713+nightly
codegen_flags: <defaults>
</compile_context>

<pallas_src>
import functools

import jax
import jax.numpy as jnp
from jax import lax
from jax.experimental import pallas as pl
from jax.experimental.pallas import tpu as pltpu
from jax.experimental.pallas import tpu_sc as plsc

_RB = 8192
_WR = 2048


def _flatroll(x, s):
    sl = jnp.mod(s, 128)
    sr = s // 128
    xr = pltpu.roll(x, sl, axis=1)
    y0 = pltpu.roll(xr, sr, axis=0)
    y1 = pltpu.roll(xr, sr + 1, axis=0)
    col = lax.broadcasted_iota(jnp.int32, x.shape, 1)
    return jnp.where(col < sl, y1, y0)


def _emb_body(s_ref, emb, qe, se, ne, er_s):
    eb = _RB * 128
    ce = pl.num_programs(0) * eb
    wl = _WR * 128
    w0 = s_ref[0]
    g = pl.program_id(0)

    @pl.when(g == 0)
    def _():
        er_s[...] = _flatroll(emb[...], jnp.mod(w0, wl))

    se[...] = qe[...]
    t0 = jnp.mod(g * eb - w0, ce)
    er = er_s[...]
    for k in range(_RB // _WR):
        fi = (lax.broadcasted_iota(jnp.int32, (_WR, 128), 0) * 128
              + lax.broadcasted_iota(jnp.int32, (_WR, 128), 1))
        tt = t0 + k * (_WR * 128) + fi
        tt = jnp.where(tt >= ce, tt - ce, tt)
        mask = tt < wl
        ne[k * _WR:(k + 1) * _WR, :] = jnp.where(mask, er, qe[k * _WR:(k + 1) * _WR, :])


def _make_ids_sc_kernel(C, B):
    NC = 16
    SL = C // NC
    BW = B // NC
    KS = 128
    NK = BW // KS
    mesh = plsc.VectorSubcoreMesh(core_axis_name="c", subcore_axis_name="s")

    @functools.partial(
        pl.kernel,
        out_type=[
            jax.ShapeDtypeStruct((C,), jnp.int32),
            jax.ShapeDtypeStruct((C,), jnp.int32),
            jax.ShapeDtypeStruct((C,), jnp.int32),
            jax.ShapeDtypeStruct((C,), jnp.int32),
        ],
        mesh=mesh,
        scratch_types=[
            pltpu.VMEM((SL,), jnp.int32),
            pltpu.VMEM((SL,), jnp.int32),
            [pltpu.VMEM((KS,), jnp.int32) for _ in range(NK)],
            [pltpu.VMEM((KS,), jnp.int32) for _ in range(NK)],
            [pltpu.VMEM((KS,), jnp.int32) for _ in range(NK)],
            pltpu.SemaphoreType.DMA,
        ],
    )
    def ids_k(idx_hbm, ilo_hbm, ihi_hbm, qlo_hbm, qhi_hbm,
              slo_hbm, shi_hbm, nlo_hbm, nhi_hbm,
              va, vb, vidx, vlo, vhi, sem):
        c = lax.axis_index("c")
        s = lax.axis_index("s")
        base = s * SL

        @pl.when(c == 1)
        def _():
            pltpu.sync_copy(qlo_hbm.at[pl.ds(base, SL)], va)
            pltpu.sync_copy(va, slo_hbm.at[pl.ds(base, SL)])
            pltpu.sync_copy(qhi_hbm.at[pl.ds(base, SL)], vb)
            pltpu.sync_copy(vb, shi_hbm.at[pl.ds(base, SL)])

        @pl.when(c == 0)
        def _():
            pltpu.sync_copy(qlo_hbm.at[pl.ds(base, SL)], va)
            pltpu.sync_copy(va, nlo_hbm.at[pl.ds(base, SL)])
            pltpu.sync_copy(qhi_hbm.at[pl.ds(base, SL)], vb)
            pltpu.sync_copy(vb, nhi_hbm.at[pl.ds(base, SL)])
            plsc.subcore_barrier()
            for k in range(NK):
                off = s * BW + k * KS
                pltpu.sync_copy(idx_hbm.at[pl.ds(off, KS)], vidx[k])
                pltpu.sync_copy(ilo_hbm.at[pl.ds(off, KS)], vlo[k])
                pltpu.sync_copy(ihi_hbm.at[pl.ds(off, KS)], vhi[k])
                pltpu.async_copy(vlo[k], nlo_hbm.at[vidx[k]], sem).wait()
                pltpu.async_copy(vhi[k], nhi_hbm.at[vidx[k]], sem).wait()

    return ids_k


def kernel(embeddings, item_ids, queue_embeddings, queue_item_ids, ptr):
    C, D = queue_embeddings.shape
    B = embeddings.shape[0]
    p = jnp.asarray(jnp.mod(ptr, C), jnp.int32)

    CE = C * D
    G = CE // (_RB * 128)
    emb2 = embeddings.reshape(_WR, 128)
    qe2 = queue_embeddings.reshape(CE // 128, 128)
    scal = jnp.stack([D * p, jnp.int32(0)])

    se2, ne2 = pl.pallas_call(
        _emb_body,
        grid_spec=pltpu.PrefetchScalarGridSpec(
            num_scalar_prefetch=1,
            grid=(G,),
            in_specs=[
                pl.BlockSpec((_WR, 128), lambda g, pr: (jnp.int32(0), jnp.int32(0))),
                pl.BlockSpec((_RB, 128), lambda g, pr: (g, jnp.int32(0))),
            ],
            out_specs=[
                pl.BlockSpec((_RB, 128), lambda g, pr: (g, jnp.int32(0))),
                pl.BlockSpec((_RB, 128), lambda g, pr: (g, jnp.int32(0))),
            ],
            scratch_shapes=[pltpu.VMEM((_WR, 128), jnp.float32)],
        ),
        out_shape=[
            jax.ShapeDtypeStruct((CE // 128, 128), jnp.float32),
            jax.ShapeDtypeStruct((CE // 128, 128), jnp.float32),
        ],
    )(scal, emb2, qe2)

    ilo = item_ids.astype(jnp.int32)
    ihi = jnp.right_shift(item_ids, 32).astype(jnp.int32)
    qlo = queue_item_ids.astype(jnp.int32)
    qhi = jnp.right_shift(queue_item_ids, 32).astype(jnp.int32)
    idx_arr = jnp.mod(p + jnp.arange(B, dtype=jnp.int32), C).astype(jnp.int32)

    ids_k = _make_ids_sc_kernel(C, B)
    slo, shi, nlo, nhi = ids_k(idx_arr, ilo, ihi, qlo, qhi)

    def _to64(hi, lo):
        return (jnp.left_shift(hi.reshape(C).astype(jnp.int64), 32)
                | (lo.reshape(C).astype(jnp.int64) & jnp.int64(0xFFFFFFFF)))

    se = se2.reshape(C, D)
    ne = ne2.reshape(C, D)
    return (se, _to64(shi, slo), ne, _to64(nhi, nlo))

# --- scband reference (transcript-rebuilt; emitter-appended) ---
"""Pipeline reference for scband-cached-cross-batch-sampler-15857019257157 (READ-ONLY COPY).

The authoritative reference and input builder live on the scoring server;
editing this copy changes nothing except your own understanding.
"""

import jax, jax.numpy as jnp
import numpy as np
jax.config.update("jax_enable_x64", True)

CAPACITY = 65536
BATCH = 4096
EMBED_DIM = 64
VOCAB = 1000000


def setup_inputs(seed: int = 0) -> dict:
    key = jax.random.key(seed)
    k1, k2, k3, k4 = jax.random.split(key, 4)
    return {
        "embeddings": jax.random.normal(k1, (BATCH, EMBED_DIM), dtype=jnp.float32),
        "item_ids": jax.random.randint(k2, (BATCH,), 0, VOCAB, dtype=jnp.int64),
        "queue_embeddings": jax.random.normal(k3, (CAPACITY, EMBED_DIM), dtype=jnp.float32),
        "queue_item_ids": jax.random.randint(k4, (CAPACITY,), 0, VOCAB, dtype=jnp.int64),
        "ptr": 12345,
    }


def reference(embeddings, item_ids, queue_embeddings, queue_item_ids, ptr):
    # CachedCrossBatchSampler.call with ignore_last_batch_on_sample=True:
    #   1) sample(): list_all() returns the full FIFO cache (embeddings + metadata)
    #      BEFORE the current batch is added.
    #   2) add(): enqueue_many the current batch embeddings and metadata (item_id)
    #      into the fixed-capacity FIFO queue, modeled as a circular buffer with
    #      write pointer `ptr` (scatter-overwrite of the oldest entries).
    capacity = queue_embeddings.shape[0]
    b = embeddings.shape[0]

    # --- sample() before add ---
    sampled_embeddings = queue_embeddings
    sampled_item_ids = queue_item_ids

    # --- add(): FIFO enqueue_many as circular-buffer scatter-overwrite ---
    idx = (ptr + jnp.arange(b)) % capacity
    new_queue_embeddings = queue_embeddings.at[idx].set(embeddings)
    new_queue_item_ids = queue_item_ids.at[idx].set(item_ids)

    return (sampled_embeddings, sampled_item_ids, new_queue_embeddings, new_queue_item_ids)

if __name__ == "__main__":
    import jax
    _d = setup_inputs()
    print(jax.jit(kernel)(*tuple(_d.values())))

</pallas_src>

<mosaic_0001>
#map = affine_map<(d0, d1) -> (0)>
module attributes {stable_mosaic.version = 14 : i64} {
  func.func @ids_k(%arg0: i32, %arg1: i32, %arg2: memref<4096xi32, #tpu.memory_space<hbm>>, %arg3: memref<4096xi32, #tpu.memory_space<hbm>>, %arg4: memref<4096xi32, #tpu.memory_space<hbm>>, %arg5: memref<65536xi32, #tpu.memory_space<hbm>>, %arg6: memref<65536xi32, #tpu.memory_space<hbm>>, %arg7: memref<65536xi32, #tpu.memory_space<hbm>>, %arg8: memref<65536xi32, #tpu.memory_space<hbm>>, %arg9: memref<65536xi32, #tpu.memory_space<hbm>>, %arg10: memref<65536xi32, #tpu.memory_space<hbm>>, %arg11: memref<4096xi32, #tpu.memory_space<vmem>>, %arg12: memref<4096xi32, #tpu.memory_space<vmem>>, %arg13: memref<128xi32, #tpu.memory_space<vmem>>, %arg14: memref<128xi32, #tpu.memory_space<vmem>>, %arg15: memref<128xi32, #tpu.memory_space<vmem>>, %arg16: memref<128xi32, #tpu.memory_space<vmem>>, %arg17: memref<128xi32, #tpu.memory_space<vmem>>, %arg18: memref<128xi32, #tpu.memory_space<vmem>>, %arg19: memref<!tpu.dma_semaphore, #tpu.memory_space<semaphore_mem>>) attributes {dimension_semantics = [#tpu.dimension_semantics<core_parallel>, #tpu.dimension_semantics<subcore_parallel>], iteration_bounds = array<i64: 2, 16>, scalar_prefetch = 0 : i64, scratch_operands = 9 : i64, tpu.core_type = #tpu.core_type<sc_vector_subcore>, window_params = [{transform_indices = #map}, {transform_indices = #map}, {transform_indices = #map}, {transform_indices = #map}, {transform_indices = #map}, {transform_indices = #map}, {transform_indices = #map}, {transform_indices = #map}, {transform_indices = #map}]} {
    %mul3A = arith.constant 4096 : i32
    %mul3A_0 = arith.muli %arg1, %mul3A : i32
    %eq3A = arith.constant 1 : i32
    %eq3A_1 = arith.cmpi eq, %arg0, %eq3A : i32
    %convert_element_type3A = arith.extui %eq3A_1 : i1 to i32
    %cond3A = arith.constant 0 : i32
    %cond3A_2 = arith.cmpi ne, %convert_element_type3A, %cond3A : i32
    scf.if %cond3A_2 {
      "tpu.region"() ({
        %run_scoped3A = tpu.sem_alloc : memref<!tpu.dma_semaphore, #tpu.memory_space<semaphore_mem>>
        %dma_start3A = tpu.memref_slice %arg5[%mul3A_0] : memref<65536xi32, #tpu.memory_space<hbm>> -> memref<4096xi32, #tpu.memory_space<hbm>>
        %dma_start3A_8 = tpu.memref_slice %arg5[%mul3A_0] : memref<65536xi32, #tpu.memory_space<hbm>> -> memref<4096xi32, #tpu.memory_space<hbm>>
        tpu.enqueue_dma source(%dma_start3A_8 : memref<4096xi32, #tpu.memory_space<hbm>>) target(%arg11 : memref<4096xi32, #tpu.memory_space<vmem>>) target_semaphore(%run_scoped3A : memref<!tpu.dma_semaphore, #tpu.memory_space<semaphore_mem>>)
        %dma_wait3A = tpu.memref_slice %arg5[%mul3A_0] : memref<65536xi32, #tpu.memory_space<hbm>> -> memref<4096xi32, #tpu.memory_space<hbm>>
        %dma_wait3A_9 = tpu.memref_slice %arg5[%mul3A_0] : memref<65536xi32, #tpu.memory_space<hbm>> -> memref<4096xi32, #tpu.memory_space<hbm>>
        tpu.wait_dma2 semaphore(%run_scoped3A : memref<!tpu.dma_semaphore, #tpu.memory_space<semaphore_mem>>) src(%dma_wait3A_9 : memref<4096xi32, #tpu.memory_space<hbm>>) dst(%arg11 : memref<4096xi32, #tpu.memory_space<vmem>>)
        tpu.yield
      }) : () -> ()
      "tpu.region"() ({
        %run_scoped3A = tpu.sem_alloc : memref<!tpu.dma_semaphore, #tpu.memory_space<semaphore_mem>>
        %dma_start3A = tpu.memref_slice %arg7[%mul3A_0] : memref<65536xi32, #tpu.memory_space<hbm>> -> memref<4096xi32, #tpu.memory_space<hbm>>
        %dma_start3A_8 = tpu.memref_slice %arg7[%mul3A_0] : memref<65536xi32, #tpu.memory_space<hbm>> -> memref<4096xi32, #tpu.memory_space<hbm>>
        tpu.enqueue_dma source(%arg11 : memref<4096xi32, #tpu.memory_space<vmem>>) target(%dma_start3A_8 : memref<4096xi32, #tpu.memory_space<hbm>>) target_semaphore(%run_scoped3A : memref<!tpu.dma_semaphore, #tpu.memory_space<semaphore_mem>>)
        %dma_wait3A = tpu.memref_slice %arg7[%mul3A_0] : memref<65536xi32, #tpu.memory_space<hbm>> -> memref<4096xi32, #tpu.memory_space<hbm>>
        %dma_wait3A_9 = tpu.memref_slice %arg7[%mul3A_0] : memref<65536xi32, #tpu.memory_space<hbm>> -> memref<4096xi32, #tpu.memory_space<hbm>>
        tpu.wait_dma2 semaphore(%run_scoped3A : memref<!tpu.dma_semaphore, #tpu.memory_space<semaphore_mem>>) src(%arg11 : memref<4096xi32, #tpu.memory_space<vmem>>) dst(%dma_wait3A_9 : memref<4096xi32, #tpu.memory_space<hbm>>)
        tpu.yield
      }) : () -> ()
      "tpu.region"() ({
        %run_scoped3A = tpu.sem_alloc : memref<!tpu.dma_semaphore, #tpu.memory_space<semaphore_mem>>
        %dma_start3A = tpu.memref_slice %arg6[%mul3A_0] : memref<65536xi32, #tpu.memory_space<hbm>> -> memref<4096xi32, #tpu.memory_space<hbm>>
        %dma_start3A_8 = tpu.memref_slice %arg6[%mul3A_0] : memref<65536xi32, #tpu.memory_space<hbm>> -> memref<4096xi32, #tpu.memory_space<hbm>>
        tpu.enqueue_dma source(%dma_start3A_8 : memref<4096xi32, #tpu.memory_space<hbm>>) target(%arg12 : memref<4096xi32, #tpu.memory_space<vmem>>) target_semaphore(%run_scoped3A : memref<!tpu.dma_semaphore, #tpu.memory_space<semaphore_mem>>)
        %dma_wait3A = tpu.memref_slice %arg6[%mul3A_0] : memref<65536xi32, #tpu.memory_space<hbm>> -> memref<4096xi32, #tpu.memory_space<hbm>>
        %dma_wait3A_9 = tpu.memref_slice %arg6[%mul3A_0] : memref<65536xi32, #tpu.memory_space<hbm>> -> memref<4096xi32, #tpu.memory_space<hbm>>
        tpu.wait_dma2 semaphore(%run_scoped3A : memref<!tpu.dma_semaphore, #tpu.memory_space<semaphore_mem>>) src(%dma_wait3A_9 : memref<4096xi32, #tpu.memory_space<hbm>>) dst(%arg12 : memref<4096xi32, #tpu.memory_space<vmem>>)
        tpu.yield
      }) : () -> ()
      "tpu.region"() ({
        %run_scoped3A = tpu.sem_alloc : memref<!tpu.dma_semaphore, #tpu.memory_space<semaphore_mem>>
        %dma_start3A = tpu.memref_slice %arg8[%mul3A_0] : memref<65536xi32, #tpu.memory_space<hbm>> -> memref<4096xi32, #tpu.memory_space<hbm>>
        %dma_start3A_8 = tpu.memref_slice %arg8[%mul3A_0] : memref<65536xi32, #tpu.memory_space<hbm>> -> memref<4096xi32, #tpu.memory_space<hbm>>
        tpu.enqueue_dma source(%arg12 : memref<4096xi32, #tpu.memory_space<vmem>>) target(%dma_start3A_8 : memref<4096xi32, #tpu.memory_space<hbm>>) target_semaphore(%run_scoped3A : memref<!tpu.dma_semaphore, #tpu.memory_space<semaphore_mem>>)
        %dma_wait3A = tpu.memref_slice %arg8[%mul3A_0] : memref<65536xi32, #tpu.memory_space<hbm>> -> memref<4096xi32, #tpu.memory_space<hbm>>
        %dma_wait3A_9 = tpu.memref_slice %arg8[%mul3A_0] : memref<65536xi32, #tpu.memory_space<hbm>> -> memref<4096xi32, #tpu.memory_space<hbm>>
        tpu.wait_dma2 semaphore(%run_scoped3A : memref<!tpu.dma_semaphore, #tpu.memory_space<semaphore_mem>>) src(%arg12 : memref<4096xi32, #tpu.memory_space<vmem>>) dst(%dma_wait3A_9 : memref<4096xi32, #tpu.memory_space<hbm>>)
        tpu.yield
      }) : () -> ()
    } else {
    }
    %eq3A_3 = arith.constant 0 : i32
    %eq3A_4 = arith.cmpi eq, %arg0, %eq3A_3 : i32
    %convert_element_type3A_5 = arith.extui %eq3A_4 : i1 to i32
    %cond3A_6 = arith.constant 0 : i32
    %cond3A_7 = arith.cmpi ne, %convert_element_type3A_5, %cond3A_6 : i32
    scf.if %cond3A_7 {
      "tpu.region"() ({
        %run_scoped3A = tpu.sem_alloc : memref<!tpu.dma_semaphore, #tpu.memory_space<semaphore_mem>>
        %dma_start3A_29 = tpu.memref_slice %arg5[%mul3A_0] : memref<65536xi32, #tpu.memory_space<hbm>> -> memref<4096xi32, #tpu.memory_space<hbm>>
        %dma_start3A_30 = tpu.memref_slice %arg5[%mul3A_0] : memref<65536xi32, #tpu.memory_space<hbm>> -> memref<4096xi32, #tpu.memory_space<hbm>>
        tpu.enqueue_dma source(%dma_start3A_30 : memref<4096xi32, #tpu.memory_space<hbm>>) target(%arg11 : memref<4096xi32, #tpu.memory_space<vmem>>) target_semaphore(%run_scoped3A : memref<!tpu.dma_semaphore, #tpu.memory_space<semaphore_mem>>)
        %dma_wait3A_31 = tpu.memref_slice %arg5[%mul3A_0] : memref<65536xi32, #tpu.memory_space<hbm>> -> memref<4096xi32, #tpu.memory_space<hbm>>
        %dma_wait3A_32 = tpu.memref_slice %arg5[%mul3A_0] : memref<65536xi32, #tpu.memory_space<hbm>> -> memref<4096xi32, #tpu.memory_space<hbm>>
        tpu.wait_dma2 semaphore(%run_scoped3A : memref<!tpu.dma_semaphore, #tpu.memory_space<semaphore_mem>>) src(%dma_wait3A_32 : memref<4096xi32, #tpu.memory_space<hbm>>) dst(%arg11 : memref<4096xi32, #tpu.memory_space<vmem>>)
        tpu.yield
      }) : () -> ()
      "tpu.region"() ({
        %run_scoped3A = tpu.sem_alloc : memref<!tpu.dma_semaphore, #tpu.memory_space<semaphore_mem>>
        %dma_start3A_29 = tpu.memref_slice %arg9[%mul3A_0] : memref<65536xi32, #tpu.memory_space<hbm>> -> memref<4096xi32, #tpu.memory_space<hbm>>
        %dma_start3A_30 = tpu.memref_slice %arg9[%mul3A_0] : memref<65536xi32, #tpu.memory_space<hbm>> -> memref<4096xi32, #tpu.memory_space<hbm>>
        tpu.enqueue_dma source(%arg11 : memref<4096xi32, #tpu.memory_space<vmem>>) target(%dma_start3A_30 : memref<4096xi32, #tpu.memory_space<hbm>>) target_semaphore(%run_scoped3A : memref<!tpu.dma_semaphore, #tpu.memory_space<semaphore_mem>>)
        %dma_wait3A_31 = tpu.memref_slice %arg9[%mul3A_0] : memref<65536xi32, #tpu.memory_space<hbm>> -> memref<4096xi32, #tpu.memory_space<hbm>>
        %dma_wait3A_32 = tpu.memref_slice %arg9[%mul3A_0] : memref<65536xi32, #tpu.memory_space<hbm>> -> memref<4096xi32, #tpu.memory_space<hbm>>
        tpu.wait_dma2 semaphore(%run_scoped3A : memref<!tpu.dma_semaphore, #tpu.memory_space<semaphore_mem>>) src(%arg11 : memref<4096xi32, #tpu.memory_space<vmem>>) dst(%dma_wait3A_32 : memref<4096xi32, #tpu.memory_space<hbm>>)
        tpu.yield
      }) : () -> ()
      "tpu.region"() ({
        %run_scoped3A = tpu.sem_alloc : memref<!tpu.dma_semaphore, #tpu.memory_space<semaphore_mem>>
        %dma_start3A_29 = tpu.memref_slice %arg6[%mul3A_0] : memref<65536xi32, #tpu.memory_space<hbm>> -> memref<4096xi32, #tpu.memory_space<hbm>>
        %dma_start3A_30 = tpu.memref_slice %arg6[%mul3A_0] : memref<65536xi32, #tpu.memory_space<hbm>> -> memref<4096xi32, #tpu.memory_space<hbm>>
        tpu.enqueue_dma source(%dma_start3A_30 : memref<4096xi32, #tpu.memory_space<hbm>>) target(%arg12 : memref<4096xi32, #tpu.memory_space<vmem>>) target_semaphore(%run_scoped3A : memref<!tpu.dma_semaphore, #tpu.memory_space<semaphore_mem>>)
        %dma_wait3A_31 = tpu.memref_slice %arg6[%mul3A_0] : memref<65536xi32, #tpu.memory_space<hbm>> -> memref<4096xi32, #tpu.memory_space<hbm>>
        %dma_wait3A_32 = tpu.memref_slice %arg6[%mul3A_0] : memref<65536xi32, #tpu.memory_space<hbm>> -> memref<4096xi32, #tpu.memory_space<hbm>>
        tpu.wait_dma2 semaphore(%run_scoped3A : memref<!tpu.dma_semaphore, #tpu.memory_space<semaphore_mem>>) src(%dma_wait3A_32 : memref<4096xi32, #tpu.memory_space<hbm>>) dst(%arg12 : memref<4096xi32, #tpu.memory_space<vmem>>)
        tpu.yield
      }) : () -> ()
      "tpu.region"() ({
        %run_scoped3A = tpu.sem_alloc : memref<!tpu.dma_semaphore, #tpu.memory_space<semaphore_mem>>
        %dma_start3A_29 = tpu.memref_slice %arg10[%mul3A_0] : memref<65536xi32, #tpu.memory_space<hbm>> -> memref<4096xi32, #tpu.memory_space<hbm>>
        %dma_start3A_30 = tpu.memref_slice %arg10[%mul3A_0] : memref<65536xi32, #tpu.memory_space<hbm>> -> memref<4096xi32, #tpu.memory_space<hbm>>
        tpu.enqueue_dma source(%arg12 : memref<4096xi32, #tpu.memory_space<vmem>>) target(%dma_start3A_30 : memref<4096xi32, #tpu.memory_space<hbm>>) target_semaphore(%run_scoped3A : memref<!tpu.dma_semaphore, #tpu.memory_space<semaphore_mem>>)
        %dma_wait3A_31 = tpu.memref_slice %arg10[%mul3A_0] : memref<65536xi32, #tpu.memory_space<hbm>> -> memref<4096xi32, #tpu.memory_space<hbm>>
        %dma_wait3A_32 = tpu.memref_slice %arg10[%mul3A_0] : memref<65536xi32, #tpu.memory_space<hbm>> -> memref<4096xi32, #tpu.memory_space<hbm>>
        tpu.wait_dma2 semaphore(%run_scoped3A : memref<!tpu.dma_semaphore, #tpu.memory_space<semaphore_mem>>) src(%arg12 : memref<4096xi32, #tpu.memory_space<vmem>>) dst(%dma_wait3A_32 : memref<4096xi32, #tpu.memory_space<hbm>>)
        tpu.yield
      }) : () -> ()
      %barrier3A = arith.constant 0 : index
      tpu.barrier barrier_id(%barrier3A)
      %mul3A_8 = arith.constant 256 : i32
      %mul3A_9 = arith.muli %arg1, %mul3A_8 : i32
      %add3A = arith.constant 0 : i32
      %add3A_10 = arith.addi %mul3A_9, %add3A : i32
      "tpu.region"() ({
        %run_scoped3A = tpu.sem_alloc : memref<!tpu.dma_semaphore, #tpu.memory_space<semaphore_mem>>
        %dma_start3A_29 = tpu.memref_slice %arg2[%add3A_10] : memref<4096xi32, #tpu.memory_space<hbm>> -> memref<128xi32, #tpu.memory_space<hbm>>
        %dma_start3A_30 = tpu.memref_slice %arg2[%add3A_10] : memref<4096xi32, #tpu.memory_space<hbm>> -> memref<128xi32, #tpu.memory_space<hbm>>
        tpu.enqueue_dma source(%dma_start3A_30 : memref<128xi32, #tpu.memory_space<hbm>>) target(%arg13 : memref<128xi32, #tpu.memory_space<vmem>>) target_semaphore(%run_scoped3A : memref<!tpu.dma_semaphore, #tpu.memory_space<semaphore_mem>>)
        %dma_wait3A_31 = tpu.memref_slice %arg2[%add3A_10] : memref<4096xi32, #tpu.memory_space<hbm>> -> memref<128xi32, #tpu.memory_space<hbm>>
        %dma_wait3A_32 = tpu.memref_slice %arg2[%add3A_10] : memref<4096xi32, #tpu.memory_space<hbm>> -> memref<128xi32, #tpu.memory_space<hbm>>
        tpu.wait_dma2 semaphore(%run_scoped3A : memref<!tpu.dma_semaphore, #tpu.memory_space<semaphore_mem>>) src(%dma_wait3A_32 : memref<128xi32, #tpu.memory_space<hbm>>) dst(%arg13 : memref<128xi32, #tpu.memory_space<vmem>>)
        tpu.yield
      }) : () -> ()
      "tpu.region"() ({
        %run_scoped3A = tpu.sem_alloc : memref<!tpu.dma_semaphore, #tpu.memory_space<semaphore_mem>>
        %dma_start3A_29 = tpu.memref_slice %arg3[%add3A_10] : memref<4096xi32, #tpu.memory_space<hbm>> -> memref<128xi32, #tpu.memory_space<hbm>>
        %dma_start3A_30 = tpu.memref_slice %arg3[%add3A_10] : memref<4096xi32, #tpu.memory_space<hbm>> -> memref<128xi32, #tpu.memory_space<hbm>>
        tpu.enqueue_dma source(%dma_start3A_30 : memref<128xi32, #tpu.memory_space<hbm>>) target(%arg15 : memref<128xi32, #tpu.memory_space<vmem>>) target_semaphore(%run_scoped3A : memref<!tpu.dma_semaphore, #tpu.memory_space<semaphore_mem>>)
        %dma_wait3A_31 = tpu.memref_slice %arg3[%add3A_10] : memref<4096xi32, #tpu.memory_space<hbm>> -> memref<128xi32, #tpu.memory_space<hbm>>
        %dma_wait3A_32 = tpu.memref_slice %arg3[%add3A_10] : memref<4096xi32, #tpu.memory_space<hbm>> -> memref<128xi32, #tpu.memory_space<hbm>>
        tpu.wait_dma2 semaphore(%run_scoped3A : memref<!tpu.dma_semaphore, #tpu.memory_space<semaphore_mem>>) src(%dma_wait3A_32 : memref<128xi32, #tpu.memory_space<hbm>>) dst(%arg15 : memref<128xi32, #tpu.memory_space<vmem>>)
        tpu.yield
      }) : () -> ()
      "tpu.region"() ({
        %run_scoped3A = tpu.sem_alloc : memref<!tpu.dma_semaphore, #tpu.memory_space<semaphore_mem>>
        %dma_start3A_29 = tpu.memref_slice %arg4[%add3A_10] : memref<4096xi32, #tpu.memory_space<hbm>> -> memref<128xi32, #tpu.memory_space<hbm>>
        %dma_start3A_30 = tpu.memref_slice %arg4[%add3A_10] : memref<4096xi32, #tpu.memory_space<hbm>> -> memref<128xi32, #tpu.memory_space<hbm>>
        tpu.enqueue_dma source(%dma_start3A_30 : memref<128xi32, #tpu.memory_space<hbm>>) target(%arg17 : memref<128xi32, #tpu.memory_space<vmem>>) target_semaphore(%run_scoped3A : memref<!tpu.dma_semaphore, #tpu.memory_space<semaphore_mem>>)
        %dma_wait3A_31 = tpu.memref_slice %arg4[%add3A_10] : memref<4096xi32, #tpu.memory_space<hbm>> -> memref<128xi32, #tpu.memory_space<hbm>>
        %dma_wait3A_32 = tpu.memref_slice %arg4[%add3A_10] : memref<4096xi32, #tpu.memory_space<hbm>> -> memref<128xi32, #tpu.memory_space<hbm>>
        tpu.wait_dma2 semaphore(%run_scoped3A : memref<!tpu.dma_semaphore, #tpu.memory_space<semaphore_mem>>) src(%dma_wait3A_32 : memref<128xi32, #tpu.memory_space<hbm>>) dst(%arg17 : memref<128xi32, #tpu.memory_space<vmem>>)
        tpu.yield
      }) : () -> ()
      %dma_start3A = arith.constant 0 : i32
      %dma_start3A_11 = tpu.memref_slice %arg9[%dma_start3A] : memref<65536xi32, #tpu.memory_space<hbm>> -> memref<65536xi32, #tpu.memory_space<hbm>>
      tpu.enqueue_indirect_dma source(%arg15 : memref<128xi32, #tpu.memory_space<vmem>>) target(%dma_start3A_11 : memref<65536xi32, #tpu.memory_space<hbm>>) offsets(%arg13 : memref<128xi32, #tpu.memory_space<vmem>>) semaphore(%arg19 : memref<!tpu.dma_semaphore, #tpu.memory_space<semaphore_mem>>)
      %dma_wait3A = arith.constant 0 : i32
      %dma_wait3A_12 = tpu.memref_slice %arg9[%dma_wait3A] : memref<65536xi32, #tpu.memory_space<hbm>> -> memref<65536xi32, #tpu.memory_space<hbm>>
      tpu.wait_indirect_dma semaphore(%arg19 : memref<!tpu.dma_semaphore, #tpu.memory_space<semaphore_mem>>) src(%arg15 : memref<128xi32, #tpu.memory_space<vmem>>) dst(%dma_wait3A_12 : memref<65536xi32, #tpu.memory_space<hbm>>)
      %dma_start3A_13 = arith.constant 0 : i32
      %dma_start3A_14 = tpu.memref_slice %arg10[%dma_start3A_13] : memref<65536xi32, #tpu.memory_space<hbm>> -> memref<65536xi32, #tpu.memory_space<hbm>>
      tpu.enqueue_indirect_dma source(%arg17 : memref<128xi32, #tpu.memory_space<vmem>>) target(%dma_start3A_14 : memref<65536xi32, #tpu.memory_space<hbm>>) offsets(%arg13 : memref<128xi32, #tpu.memory_space<vmem>>) semaphore(%arg19 : memref<!tpu.dma_semaphore, #tpu.memory_space<semaphore_mem>>)
      %dma_wait3A_15 = arith.constant 0 : i32
      %dma_wait3A_16 = tpu.memref_slice %arg10[%dma_wait3A_15] : memref<65536xi32, #tpu.memory_space<hbm>> -> memref<65536xi32, #tpu.memory_space<hbm>>
      tpu.wait_indirect_dma semaphore(%arg19 : memref<!tpu.dma_semaphore, #tpu.memory_space<semaphore_mem>>) src(%arg17 : memref<128xi32, #tpu.memory_space<vmem>>) dst(%dma_wait3A_16 : memref<65536xi32, #tpu.memory_space<hbm>>)
      %mul3A_17 = arith.constant 256 : i32
      %mul3A_18 = arith.muli %arg1, %mul3A_17 : i32
      %add3A_19 = arith.constant 128 : i32
      %add3A_20 = arith.addi %mul3A_18, %add3A_19 : i32
      "tpu.region"() ({
        %run_scoped3A = tpu.sem_alloc : memref<!tpu.dma_semaphore, #tpu.memory_space<semaphore_mem>>
        %dma_start3A_29 = tpu.memref_slice %arg2[%add3A_20] : memref<4096xi32, #tpu.memory_space<hbm>> -> memref<128xi32, #tpu.memory_space<hbm>>
        %dma_start3A_30 = tpu.memref_slice %arg2[%add3A_20] : memref<4096xi32, #tpu.memory_space<hbm>> -> memref<128xi32, #tpu.memory_space<hbm>>
        tpu.enqueue_dma source(%dma_start3A_30 : memref<128xi32, #tpu.memory_space<hbm>>) target(%arg14 : memref<128xi32, #tpu.memory_space<vmem>>) target_semaphore(%run_scoped3A : memref<!tpu.dma_semaphore, #tpu.memory_space<semaphore_mem>>)
        %dma_wait3A_31 = tpu.memref_slice %arg2[%add3A_20] : memref<4096xi32, #tpu.memory_space<hbm>> -> memref<128xi32, #tpu.memory_space<hbm>>
        %dma_wait3A_32 = tpu.memref_slice %arg2[%add3A_20] : memref<4096xi32, #tpu.memory_space<hbm>> -> memref<128xi32, #tpu.memory_space<hbm>>
        tpu.wait_dma2 semaphore(%run_scoped3A : memref<!tpu.dma_semaphore, #tpu.memory_space<semaphore_mem>>) src(%dma_wait3A_32 : memref<128xi32, #tpu.memory_space<hbm>>) dst(%arg14 : memref<128xi32, #tpu.memory_space<vmem>>)
        tpu.yield
      }) : () -> ()
      "tpu.region"() ({
        %run_scoped3A = tpu.sem_alloc : memref<!tpu.dma_semaphore, #tpu.memory_space<semaphore_mem>>
        %dma_start3A_29 = tpu.memref_slice %arg3[%add3A_20] : memref<4096xi32, #tpu.memory_space<hbm>> -> memref<128xi32, #tpu.memory_space<hbm>>
        %dma_start3A_30 = tpu.memref_slice %arg3[%add3A_20] : memref<4096xi32, #tpu.memory_space<hbm>> -> memref<128xi32, #tpu.memory_space<hbm>>
        tpu.enqueue_dma source(%dma_start3A_30 : memref<128xi32, #tpu.memory_space<hbm>>) target(%arg16 : memref<128xi32, #tpu.memory_space<vmem>>) target_semaphore(%run_scoped3A : memref<!tpu.dma_semaphore, #tpu.memory_space<semaphore_mem>>)
        %dma_wait3A_31 = tpu.memref_slice %arg3[%add3A_20] : memref<4096xi32, #tpu.memory_space<hbm>> -> memref<128xi32, #tpu.memory_space<hbm>>
        %dma_wait3A_32 = tpu.memref_slice %arg3[%add3A_20] : memref<4096xi32, #tpu.memory_space<hbm>> -> memref<128xi32, #tpu.memory_space<hbm>>
        tpu.wait_dma2 semaphore(%run_scoped3A : memref<!tpu.dma_semaphore, #tpu.memory_space<semaphore_mem>>) src(%dma_wait3A_32 : memref<128xi32, #tpu.memory_space<hbm>>) dst(%arg16 : memref<128xi32, #tpu.memory_space<vmem>>)
        tpu.yield
      }) : () -> ()
      "tpu.region"() ({
        %run_scoped3A = tpu.sem_alloc : memref<!tpu.dma_semaphore, #tpu.memory_space<semaphore_mem>>
        %dma_start3A_29 = tpu.memref_slice %arg4[%add3A_20] : memref<4096xi32, #tpu.memory_space<hbm>> -> memref<128xi32, #tpu.memory_space<hbm>>
        %dma_start3A_30 = tpu.memref_slice %arg4[%add3A_20] : memref<4096xi32, #tpu.memory_space<hbm>> -> memref<128xi32, #tpu.memory_space<hbm>>
        tpu.enqueue_dma source(%dma_start3A_30 : memref<128xi32, #tpu.memory_space<hbm>>) target(%arg18 : memref<128xi32, #tpu.memory_space<vmem>>) target_semaphore(%run_scoped3A : memref<!tpu.dma_semaphore, #tpu.memory_space<semaphore_mem>>)
        %dma_wait3A_31 = tpu.memref_slice %arg4[%add3A_20] : memref<4096xi32, #tpu.memory_space<hbm>> -> memref<128xi32, #tpu.memory_space<hbm>>
        %dma_wait3A_32 = tpu.memref_slice %arg4[%add3A_20] : memref<4096xi32, #tpu.memory_space<hbm>> -> memref<128xi32, #tpu.memory_space<hbm>>
        tpu.wait_dma2 semaphore(%run_scoped3A : memref<!tpu.dma_semaphore, #tpu.memory_space<semaphore_mem>>) src(%dma_wait3A_32 : memref<128xi32, #tpu.memory_space<hbm>>) dst(%arg18 : memref<128xi32, #tpu.memory_space<vmem>>)
        tpu.yield
      }) : () -> ()
      %dma_start3A_21 = arith.constant 0 : i32
      %dma_start3A_22 = tpu.memref_slice %arg9[%dma_start3A_21] : memref<65536xi32, #tpu.memory_space<hbm>> -> memref<65536xi32, #tpu.memory_space<hbm>>
      tpu.enqueue_indirect_dma source(%arg16 : memref<128xi32, #tpu.memory_space<vmem>>) target(%dma_start3A_22 : memref<65536xi32, #tpu.memory_space<hbm>>) offsets(%arg14 : memref<128xi32, #tpu.memory_space<vmem>>) semaphore(%arg19 : memref<!tpu.dma_semaphore, #tpu.memory_space<semaphore_mem>>)
      %dma_wait3A_23 = arith.constant 0 : i32
      %dma_wait3A_24 = tpu.memref_slice %arg9[%dma_wait3A_23] : memref<65536xi32, #tpu.memory_space<hbm>> -> memref<65536xi32, #tpu.memory_space<hbm>>
      tpu.wait_indirect_dma semaphore(%arg19 : memref<!tpu.dma_semaphore, #tpu.memory_space<semaphore_mem>>) src(%arg16 : memref<128xi32, #tpu.memory_space<vmem>>) dst(%dma_wait3A_24 : memref<65536xi32, #tpu.memory_space<hbm>>)
      %dma_start3A_25 = arith.constant 0 : i32
      %dma_start3A_26 = tpu.memref_slice %arg10[%dma_start3A_25] : memref<65536xi32, #tpu.memory_space<hbm>> -> memref<65536xi32, #tpu.memory_space<hbm>>
      tpu.enqueue_indirect_dma source(%arg18 : memref<128xi32, #tpu.memory_space<vmem>>) target(%dma_start3A_26 : memref<65536xi32, #tpu.memory_space<hbm>>) offsets(%arg14 : memref<128xi32, #tpu.memory_space<vmem>>) semaphore(%arg19 : memref<!tpu.dma_semaphore, #tpu.memory_space<semaphore_mem>>)
      %dma_wait3A_27 = arith.constant 0 : i32
      %dma_wait3A_28 = tpu.memref_slice %arg10[%dma_wait3A_27] : memref<65536xi32, #tpu.memory_space<hbm>> -> memref<65536xi32, #tpu.memory_space<hbm>>
      tpu.wait_indirect_dma semaphore(%arg19 : memref<!tpu.dma_semaphore, #tpu.memory_space<semaphore_mem>>) src(%arg18 : memref<128xi32, #tpu.memory_space<vmem>>) dst(%dma_wait3A_28 : memref<65536xi32, #tpu.memory_space<hbm>>)
    } else {
    }
    return
  }
}

module attributes {stable_mosaic.version = 14 : i64} {
  func.func @_emb_body(%arg0: i32, %arg1: memref<2xi32, #tpu.memory_space<smem>>, %arg2: memref<2048x128xf32, #tpu.memory_space<vmem>>, %arg3: memref<8192x128xf32, #tpu.memory_space<vmem>>, %arg4: memref<8192x128xf32, #tpu.memory_space<vmem>>, %arg5: memref<8192x128xf32, #tpu.memory_space<vmem>>, %arg6: memref<2048x128xf32, #tpu.memory_space<vmem>>) attributes {dimension_semantics = [#tpu.dimension_semantics<arbitrary>], iteration_bounds = array<i64: 4>, scalar_prefetch = 1 : i64, scratch_operands = 1 : i64, tpu.core_type = #tpu.core_type<tc>, window_params = [{pipeline_mode = #tpu.pipeline_mode<synchronous>, transform_indices = @transform_0, window_bounds = array<i64: 2048, 128>}, {transform_indices = @transform_1, window_bounds = array<i64: 8192, 128>}, {transform_indices = @transform_2, window_bounds = array<i64: 8192, 128>}, {transform_indices = @transform_3, window_bounds = array<i64: 8192, 128>}]} {
    %get3A = arith.constant 0 : index
    %get3A_0 = memref.load %arg1[%get3A] : memref<2xi32, #tpu.memory_space<smem>>
    %eq3A = arith.constant 0 : i32
    %eq3A_1 = arith.cmpi eq, %arg0, %eq3A : i32
    %convert_element_type3A = arith.extui %eq3A_1 : i1 to i32
    %cond3A = arith.constant 0 : i32
    %cond3A_2 = arith.cmpi ne, %convert_element_type3A, %cond3A : i32
    scf.if %cond3A_2 {
      %get3A_128 = arith.constant 0 : index
      %get3A_129 = arith.constant 0 : index
      %get3A_130 = vector.load %arg2[%get3A_128, %get3A_129] : memref<2048x128xf32, #tpu.memory_space<vmem>>, vector<2048x128xf32>
      %jit3A_131 = arith.constant 262144 : i64
      %convert_element_type3A_132 = arith.trunci %jit3A_131 : i64 to i32
      %eq3A_133 = arith.constant 0 : i32
      %eq3A_134 = arith.cmpi eq, %convert_element_type3A_132, %eq3A_133 : i32
      %jit3A_135 = arith.constant 1 : i32
      %select_n3A_136 = arith.select %eq3A_134, %jit3A_135, %convert_element_type3A_132 : i32
      %rem3A_137 = arith.remsi %get3A_0, %select_n3A_136 : i32
      %ne3A_138 = arith.constant 0 : i32
      %ne3A_139 = arith.cmpi ne, %rem3A_137, %ne3A_138 : i32
      %lt3A_140 = arith.constant 0 : i32
      %lt3A_141 = arith.cmpi slt, %rem3A_137, %lt3A_140 : i32
      %lt3A_142 = arith.constant 0 : i32
      %lt3A_143 = arith.cmpi slt, %select_n3A_136, %lt3A_142 : i32
      %ne3A_144 = arith.xori %lt3A_141, %lt3A_143 : i1
      %and3A_145 = arith.andi %ne3A_144, %ne3A_139 : i1
      %add3A_146 = arith.addi %rem3A_137, %select_n3A_136 : i32
      %select_n3A_147 = arith.select %and3A_145, %add3A_146, %rem3A_137 : i32
      %jit3A_148 = arith.constant 128 : i64
      %convert_element_type3A_149 = arith.trunci %jit3A_148 : i64 to i32
      %eq3A_150 = arith.constant 0 : i32
      %eq3A_151 = arith.cmpi eq, %convert_element_type3A_149, %eq3A_150 : i32
      %jit3A_152 = arith.constant 1 : i32
      %select_n3A_153 = arith.select %eq3A_151, %jit3A_152, %convert_element_type3A_149 : i32
      %rem3A_154 = arith.remsi %select_n3A_147, %select_n3A_153 : i32
      %ne3A_155 = arith.constant 0 : i32
      %ne3A_156 = arith.cmpi ne, %rem3A_154, %ne3A_155 : i32
      %lt3A_157 = arith.constant 0 : i32
      %lt3A_158 = arith.cmpi slt, %rem3A_154, %lt3A_157 : i32
      %lt3A_159 = arith.constant 0 : i32
      %lt3A_160 = arith.cmpi slt, %select_n3A_153, %lt3A_159 : i32
      %ne3A_161 = arith.xori %lt3A_158, %lt3A_160 : i1
      %and3A_162 = arith.andi %ne3A_161, %ne3A_156 : i1
      %add3A_163 = arith.addi %rem3A_154, %select_n3A_153 : i32
      %select_n3A_164 = arith.select %and3A_162, %add3A_163, %rem3A_154 : i32
      %jit3A_165 = arith.constant 128 : i64
      %convert_element_type3A_166 = arith.trunci %jit3A_165 : i64 to i32
      %div3A = arith.divsi %select_n3A_147, %convert_element_type3A_166 : i32
      %sign3A = arith.constant 0 : i32
      %sign3A_167 = arith.cmpi sgt, %select_n3A_147, %sign3A : i32
      %sign3A_168 = arith.extui %sign3A_167 : i1 to i32
      %sign3A_169 = arith.constant 0 : i32
      %sign3A_170 = arith.cmpi slt, %select_n3A_147, %sign3A_169 : i32
      %sign3A_171 = arith.extui %sign3A_170 : i1 to i32
      %sign3A_172 = arith.subi %sign3A_168, %sign3A_171 : i32
      %sign3A_173 = arith.constant 0 : i32
      %sign3A_174 = arith.cmpi sgt, %convert_element_type3A_166, %sign3A_173 : i32
      %sign3A_175 = arith.extui %sign3A_174 : i1 to i32
      %sign3A_176 = arith.constant 0 : i32
      %sign3A_177 = arith.cmpi slt, %convert_element_type3A_166, %sign3A_176 : i32
      %sign3A_178 = arith.extui %sign3A_177 : i1 to i32
      %sign3A_179 = arith.subi %sign3A_175, %sign3A_178 : i32
      %ne3A_180 = arith.cmpi ne, %sign3A_172, %sign3A_179 : i32
      %rem3A_181 = arith.remsi %select_n3A_147, %convert_element_type3A_166 : i32
      %ne3A_182 = arith.constant 0 : i32
      %ne3A_183 = arith.cmpi ne, %rem3A_181, %ne3A_182 : i32
      %and3A_184 = arith.andi %ne3A_180, %ne3A_183 : i1
      %sub3A_185 = arith.constant 1 : i32
      %sub3A_186 = arith.subi %div3A, %sub3A_185 : i32
      %select_n3A_187 = arith.select %and3A_184, %sub3A_186, %div3A : i32
      %roll3A = tpu.dynamic_rotate %get3A_130 by %select_n3A_164 dim 1 : vector<2048x128xf32>, i32 -> vector<2048x128xf32>
      %roll3A_188 = tpu.dynamic_rotate %roll3A by %select_n3A_187 dim 0 : vector<2048x128xf32>, i32 -> vector<2048x128xf32>
      %add3A_189 = arith.constant 1 : i32
      %add3A_190 = arith.addi %select_n3A_187, %add3A_189 : i32
      %roll3A_191 = tpu.dynamic_rotate %roll3A by %add3A_190 dim 0 : vector<2048x128xf32>, i32 -> vector<2048x128xf32>
      %iota3A_192 = tpu.iota {dimensions = array<i32: 1>} : vector<2048x128xi32>
      %lt3A_193 = vector.broadcast %select_n3A_164 : i32 to vector<2048x128xi32>
      %lt3A_194 = arith.cmpi slt, %iota3A_192, %lt3A_193 : vector<2048x128xi32>
      %select_n3A_195 = arith.select %lt3A_194, %roll3A_191, %roll3A_188 : vector<2048x128xi1>, vector<2048x128xf32>
      %swap3A_196 = arith.constant 0 : index
      %swap3A_197 = arith.constant 0 : index
      %swap3A_198 = vector.load %arg6[%swap3A_196, %swap3A_197] : memref<2048x128xf32, #tpu.memory_space<vmem>>, vector<2048x128xf32>
      tpu.vector_store %arg6[%swap3A_196, %swap3A_197], %select_n3A_195 {strides = array<i32>} : memref<2048x128xf32, #tpu.memory_space<vmem>>, vector<2048x128xf32>,
    } else {
    }
    %get3A_3 = arith.constant 0 : index
    %get3A_4 = arith.constant 0 : index
    %get3A_5 = vector.load %arg3[%get3A_3, %get3A_4] : memref<8192x128xf32, #tpu.memory_space<vmem>>, vector<8192x128xf32>
    %swap3A = arith.constant 0 : index
    %swap3A_6 = arith.constant 0 : index
    %swap3A_7 = vector.load %arg4[%swap3A, %swap3A_6] : memref<8192x128xf32, #tpu.memory_space<vmem>>, vector<8192x128xf32>
    tpu.vector_store %arg4[%swap3A, %swap3A_6], %get3A_5 {strides = array<i32>} : memref<8192x128xf32, #tpu.memory_space<vmem>>, vector<8192x128xf32>,
    %mul3A = arith.constant 1048576 : i32
    %mul3A_8 = arith.muli %arg0, %mul3A : i32
    %sub3A = arith.subi %mul3A_8, %get3A_0 : i32
    %jit3A = arith.constant 4194304 : i64
    %convert_element_type3A_9 = arith.trunci %jit3A : i64 to i32
    %eq3A_10 = arith.constant 0 : i32
    %eq3A_11 = arith.cmpi eq, %convert_element_type3A_9, %eq3A_10 : i32
    %jit3A_12 = arith.constant 1 : i32
    %select_n3A = arith.select %eq3A_11, %jit3A_12, %convert_element_type3A_9 : i32
    %rem3A = arith.remsi %sub3A, %select_n3A : i32
    %ne3A = arith.constant 0 : i32
    %ne3A_13 = arith.cmpi ne, %rem3A, %ne3A : i32
    %lt3A = arith.constant 0 : i32
    %lt3A_14 = arith.cmpi slt, %rem3A, %lt3A : i32
    %lt3A_15 = arith.constant 0 : i32
    %lt3A_16 = arith.cmpi slt, %select_n3A, %lt3A_15 : i32
    %ne3A_17 = arith.xori %lt3A_14, %lt3A_16 : i1
    %and3A = arith.andi %ne3A_17, %ne3A_13 : i1
    %add3A = arith.addi %rem3A, %select_n3A : i32
    %select_n3A_18 = arith.select %and3A, %add3A, %rem3A : i32
    %get3A_19 = arith.constant 0 : index
    %get3A_20 = arith.constant 0 : index
    %get3A_21 = vector.load %arg6[%get3A_19, %get3A_20] : memref<2048x128xf32, #tpu.memory_space<vmem>>, vector<2048x128xf32>
    %iota3A = tpu.iota {dimensions = array<i32: 0>} : vector<2048x128xi32>
    %mul3A_22 = arith.constant 128 : i32
    %mul3A_23 = vector.broadcast %mul3A_22 : i32 to vector<2048x128xi32>
    %mul3A_24 = arith.muli %iota3A, %mul3A_23 : vector<2048x128xi32>
    %iota3A_25 = tpu.iota {dimensions = array<i32: 1>} : vector<2048x128xi32>
    %add3A_26 = arith.addi %mul3A_24, %iota3A_25 : vector<2048x128xi32>
    %add3A_27 = arith.constant 0 : i32
    %add3A_28 = arith.addi %select_n3A_18, %add3A_27 : i32
    %add3A_29 = vector.broadcast %add3A_28 : i32 to vector<2048x128xi32>
    %add3A_30 = arith.addi %add3A_29, %add3A_26 : vector<2048x128xi32>
    %ge3A = arith.constant 4194304 : i32
    %ge3A_31 = vector.broadcast %ge3A : i32 to vector<2048x128xi32>
    %ge3A_32 = arith.cmpi sge, %add3A_30, %ge3A_31 : vector<2048x128xi32>
    %sub3A_33 = arith.constant 4194304 : i32
    %sub3A_34 = vector.broadcast %sub3A_33 : i32 to vector<2048x128xi32>
    %sub3A_35 = arith.subi %add3A_30, %sub3A_34 : vector<2048x128xi32>
    %select_n3A_36 = arith.select %ge3A_32, %sub3A_35, %add3A_30 : vector<2048x128xi1>, vector<2048x128xi32>
    %lt3A_37 = arith.constant 262144 : i32
    %lt3A_38 = vector.broadcast %lt3A_37 : i32 to vector<2048x128xi32>
    %lt3A_39 = arith.cmpi slt, %select_n3A_36, %lt3A_38 : vector<2048x128xi32>
    %get3A_40 = arith.constant 0 : index
    %get3A_41 = arith.constant 0 : index
    %get3A_42 = vector.load %arg3[%get3A_40, %get3A_41] : memref<8192x128xf32, #tpu.memory_space<vmem>>, vector<2048x128xf32>
    %select_n3A_43 = arith.select %lt3A_39, %get3A_21, %get3A_42 : vector<2048x128xi1>, vector<2048x128xf32>
    %swap3A_44 = arith.constant 0 : index
    %swap3A_45 = arith.constant 0 : index
    %swap3A_46 = vector.load %arg5[%swap3A_44, %swap3A_45] : memref<8192x128xf32, #tpu.memory_space<vmem>>, vector<2048x128xf32>
    tpu.vector_store %arg5[%swap3A_44, %swap3A_45], %select_n3A_43 {strides = array<i32>} : memref<8192x128xf32, #tpu.memory_space<vmem>>, vector<2048x128xf32>,
    %iota3A_47 = tpu.iota {dimensions = array<i32: 0>} : vector<2048x128xi32>
    %mul3A_48 = arith.constant 128 : i32
    %mul3A_49 = vector.broadcast %mul3A_48 : i32 to vector<2048x128xi32>
    %mul3A_50 = arith.muli %iota3A_47, %mul3A_49 : vector<2048x128xi32>
    %iota3A_51 = tpu.iota {dimensions = array<i32: 1>} : vector<2048x128xi32>
    %add3A_52 = arith.addi %mul3A_50, %iota3A_51 : vector<2048x128xi32>
    %add3A_53 = arith.constant 262144 : i32
    %add3A_54 = arith.addi %select_n3A_18, %add3A_53 : i32
    %add3A_55 = vector.broadcast %add3A_54 : i32 to vector<2048x128xi32>
    %add3A_56 = arith.addi %add3A_55, %add3A_52 : vector<2048x128xi32>
    %ge3A_57 = arith.constant 4194304 : i32
    %ge3A_58 = vector.broadcast %ge3A_57 : i32 to vector<2048x128xi32>
    %ge3A_59 = arith.cmpi sge, %add3A_56, %ge3A_58 : vector<2048x128xi32>
    %sub3A_60 = arith.constant 4194304 : i32
    %sub3A_61 = vector.broadcast %sub3A_60 : i32 to vector<2048x128xi32>
    %sub3A_62 = arith.subi %add3A_56, %sub3A_61 : vector<2048x128xi32>
    %select_n3A_63 = arith.select %ge3A_59, %sub3A_62, %add3A_56 : vector<2048x128xi1>, vector<2048x128xi32>
    %lt3A_64 = arith.constant 262144 : i32
    %lt3A_65 = vector.broadcast %lt3A_64 : i32 to vector<2048x128xi32>
    %lt3A_66 = arith.cmpi slt, %select_n3A_63, %lt3A_65 : vector<2048x128xi32>
    %get3A_67 = arith.constant 2048 : index
    %get3A_68 = arith.constant 0 : index
    %get3A_69 = vector.load %arg3[%get3A_67, %get3A_68] : memref<8192x128xf32, #tpu.memory_space<vmem>>, vector<2048x128xf32>
    %select_n3A_70 = arith.select %lt3A_66, %get3A_21, %get3A_69 : vector<2048x128xi1>, vector<2048x128xf32>
    %swap3A_71 = arith.constant 2048 : index
    %swap3A_72 = arith.constant 0 : index
    %swap3A_73 = vector.load %arg5[%swap3A_71, %swap3A_72] : memref<8192x128xf32, #tpu.memory_space<vmem>>, vector<2048x128xf32>
    tpu.vector_store %arg5[%swap3A_71, %swap3A_72], %select_n3A_70 {strides = array<i32>} : memref<8192x128xf32, #tpu.memory_space<vmem>>, vector<2048x128xf32>,
    %iota3A_74 = tpu.iota {dimensions = array<i32: 0>} : vector<2048x128xi32>
    %mul3A_75 = arith.constant 128 : i32
    %mul3A_76 = vector.broadcast %mul3A_75 : i32 to vector<2048x128xi32>
    %mul3A_77 = arith.muli %iota3A_74, %mul3A_76 : vector<2048x128xi32>
    %iota3A_78 = tpu.iota {dimensions = array<i32: 1>} : vector<2048x128xi32>
    %add3A_79 = arith.addi %mul3A_77, %iota3A_78 : vector<2048x128xi32>
    %add3A_80 = arith.constant 524288 : i32
    %add3A_81 = arith.addi %select_n3A_18, %add3A_80 : i32
    %add3A_82 = vector.broadcast %add3A_81 : i32 to vector<2048x128xi32>
    %add3A_83 = arith.addi %add3A_82, %add3A_79 : vector<2048x128xi32>
    %ge3A_84 = arith.constant 4194304 : i32
    %ge3A_85 = vector.broadcast %ge3A_84 : i32 to vector<2048x128xi32>
    %ge3A_86 = arith.cmpi sge, %add3A_83, %ge3A_85 : vector<2048x128xi32>
    %sub3A_87 = arith.constant 4194304 : i32
    %sub3A_88 = vector.broadcast %sub3A_87 : i32 to vector<2048x128xi32>
    %sub3A_89 = arith.subi %add3A_83, %sub3A_88 : vector<2048x128xi32>
    %select_n3A_90 = arith.select %ge3A_86, %sub3A_89, %add3A_83 : vector<2048x128xi1>, vector<2048x128xi32>
    %lt3A_91 = arith.constant 262144 : i32
    %lt3A_92 = vector.broadcast %lt3A_91 : i32 to vector<2048x128xi32>
    %lt3A_93 = arith.cmpi slt, %select_n3A_90, %lt3A_92 : vector<2048x128xi32>
    %get3A_94 = arith.constant 4096 : index
    %get3A_95 = arith.constant 0 : index
    %get3A_96 = vector.load %arg3[%get3A_94, %get3A_95] : memref<8192x128xf32, #tpu.memory_space<vmem>>, vector<2048x128xf32>
    %select_n3A_97 = arith.select %lt3A_93, %get3A_21, %get3A_96 : vector<2048x128xi1>, vector<2048x128xf32>
    %swap3A_98 = arith.constant 4096 : index
    %swap3A_99 = arith.constant 0 : index
    %swap3A_100 = vector.load %arg5[%swap3A_98, %swap3A_99] : memref<8192x128xf32, #tpu.memory_space<vmem>>, vector<2048x128xf32>
    tpu.vector_store %arg5[%swap3A_98, %swap3A_99], %select_n3A_97 {strides = array<i32>} : memref<8192x128xf32, #tpu.memory_space<vmem>>, vector<2048x128xf32>,
    %iota3A_101 = tpu.iota {dimensions = array<i32: 0>} : vector<2048x128xi32>
    %mul3A_102 = arith.constant 128 : i32
    %mul3A_103 = vector.broadcast %mul3A_102 : i32 to vector<2048x128xi32>
    %mul3A_104 = arith.muli %iota3A_101, %mul3A_103 : vector<2048x128xi32>
    %iota3A_105 = tpu.iota {dimensions = array<i32: 1>} : vector<2048x128xi32>
    %add3A_106 = arith.addi %mul3A_104, %iota3A_105 : vector<2048x128xi32>
    %add3A_107 = arith.constant 786432 : i32
    %add3A_108 = arith.addi %select_n3A_18, %add3A_107 : i32
    %add3A_109 = vector.broadcast %add3A_108 : i32 to vector<2048x128xi32>
    %add3A_110 = arith.addi %add3A_109, %add3A_106 : vector<2048x128xi32>
    %ge3A_111 = arith.constant 4194304 : i32
    %ge3A_112 = vector.broadcast %ge3A_111 : i32 to vector<2048x128xi32>
    %ge3A_113 = arith.cmpi sge, %add3A_110, %ge3A_112 : vector<2048x128xi32>
    %sub3A_114 = arith.constant 4194304 : i32
    %sub3A_115 = vector.broadcast %sub3A_114 : i32 to vector<2048x128xi32>
    %sub3A_116 = arith.subi %add3A_110, %sub3A_115 : vector<2048x128xi32>
    %select_n3A_117 = arith.select %ge3A_113, %sub3A_116, %add3A_110 : vector<2048x128xi1>, vector<2048x128xi32>
    %lt3A_118 = arith.constant 262144 : i32
    %lt3A_119 = vector.broadcast %lt3A_118 : i32 to vector<2048x128xi32>
    %lt3A_120 = arith.cmpi slt, %select_n3A_117, %lt3A_119 : vector<2048x128xi32>
    %get3A_121 = arith.constant 6144 : index
    %get3A_122 = arith.constant 0 : index
    %get3A_123 = vector.load %arg3[%get3A_121, %get3A_122] : memref<8192x128xf32, #tpu.memory_space<vmem>>, vector<2048x128xf32>
    %select_n3A_124 = arith.select %lt3A_120, %get3A_21, %get3A_123 : vector<2048x128xi1>, vector<2048x128xf32>
    %swap3A_125 = arith.constant 6144 : index
    %swap3A_126 = arith.constant 0 : index
    %swap3A_127 = vector.load %arg5[%swap3A_125, %swap3A_126] : memref<8192x128xf32, #tpu.memory_space<vmem>>, vector<2048x128xf32>
    tpu.vector_store %arg5[%swap3A_125, %swap3A_126], %select_n3A_124 {strides = array<i32>} : memref<8192x128xf32, #tpu.memory_space<vmem>>, vector<2048x128xf32>,
    return
  }
  func.func @transform_0(%arg0: i32, %arg1: memref<2xi32, #tpu.memory_space<smem>>) -> (i32, i32) {
    %c0_i32 = arith.constant 0 : i32
    %c0_i32_0 = arith.constant 0 : i32
    %c0_i32_1 = arith.constant 0 : i32
    return %c0_i32, %c0_i32_0 : i32, i32
  }
  func.func @transform_1(%arg0: i32, %arg1: memref<2xi32, #tpu.memory_space<smem>>) -> (i32, i32) {
    %c0_i32 = arith.constant 0 : i32
    %c0_i32_0 = arith.constant 0 : i32
    return %arg0, %c0_i32 : i32, i32
  }
  func.func @transform_2(%arg0: i32, %arg1: memref<2xi32, #tpu.memory_space<smem>>) -> (i32, i32) {
    %c0_i32 = arith.constant 0 : i32
    %c0_i32_0 = arith.constant 0 : i32
    return %arg0, %c0_i32 : i32, i32
  }
  func.func @transform_3(%arg0: i32, %arg1: memref<2xi32, #tpu.memory_space<smem>>) -> (i32, i32) {
    %c0_i32 = arith.constant 0 : i32
    %c0_i32_0 = arith.constant 0 : i32
    return %arg0, %c0_i32 : i32, i32
  }
}

</mosaic_0001>

<sc_bundles>
// kernel: kernel.4.cloned.1.call-start
scs
__scs_entry_jumppad:
0x0: {  	(pc) =	sbr.rel $0x88, $3  }
0x1: {  	(tag) =	ssettag $0x0;
	lr =	simm.s32 $0x1  }
0x2: {  	[smem:$0x3F9C] =	sst lr;
	_ =	strace $0xD0000000  }
0x3: {  	_ = 	snop  }
0x4: {  	_ = 	snop  }
0x5: {  	_ = 	snop  }
0x6: {  	_ = 	snop  }
0x7: {  	_ = 	snop  }
__scs_overlays_trampoline_lowered:
0x8: {  	[smem:$0x3FAB] =	sst s0  }
0x9: {  	[smem:$0x3FAC] =	sst s1  }
0xa: {  	[smem:$0x3FAD] =	sst s2  }
0xb: {  	[smem:$0x3FAE] =	sst s3  }
0xc: {  	[smem:$0x3FAF] =	sst s4  }
0xd: {  	[smem:$0x3FB0] =	sst s5  }
0xe: {  	[smem:$0x3FB1] =	sst s6  }
0xf: {  	[smem:$0x3FB2] =	sst s7  }
0x10: {  	[smem:$0x3FB3] =	sst s8  }
0x11: {  	[smem:$0x3FB4] =	sst s9;
	s0 =	simm.s32 @!p0 $0x0  }
0x12: {  	s1 =	sld [smem:$0x3F9A];
	s0 =	simm.s32 @p0 $0x1  }
0x13: {  	[smem:$0x3FB5] =	sst s0;
	s0 =	simm.s32 @!p1 $0x0  }
0x14: {  	s2 =	sld [smem:$0x3F99];
	s0 =	simm.s32 @p1 $0x1  }
0x15: {  	[smem:$0x3FB6] =	sst s0;
	s0 =	simm.s32 @!p2 $0x0  }
0x16: {  	s3 =	sld [smem:$0x3FDB];
	s0 =	simm.s32 @p2 $0x1  }
0x17: {  	s4 =	simm.s32 $0x1BF5;
	[smem:$0x3FB8] =	sst s0  }
0x18: {  	s0 =	sld [smem:$0x3F9B];
	_ =	swait.ge [sflag:s4], $0x0  }
0x19: {  	s7 =	sld [smem:$0x3F9C]  }
0x1a: {  	s8 =	sadd.s32 $0xFFFFE003, lr  }
0x1b: {  	s9 =	sadd.s32 $0xFFFFFEF7, lr;
	s5 =	simm.s32 $0xFFFFFFFF;
	p2 =	slt.u32 s8, $0xFFFFF086  }
0x1c: {  	p1 =	slt.u32 s9, $0xF7A;
	s5 =	simm.s32 @!p2 $0x0  }
0x1d: {  	s5 =	simm.s32 @p1 $0x1;
	p0 =	seq.s32 s7, s2  }
0x1e: {  	s7 =	smul.u32 @!p0 $0xF7A, s2;
	p2 =	seq.s32 @!p0 s5, $0x0  }
0x1f: {  	s9 =	smul.u32 $0xF7A, s1;
	s8 =	simm.s32 @!p0 $0x1BF5;
	p2 =	por !p2, p0  }
0x20: {  	[sflag:s8] =	ssyncset.s32 @!p0 $0xFFFFF086;
	s6 =	sadd.s32 @!p0 s3, s7;
	s7 =	simm.s32 @!p0 $0x108  }
0x21: {  	s3 =	sadd.s32 s3, s9;
	s6 =	sadd.s32 @!p0 $0x88, s6;
	s7 =	simm.s32 @p2 $0x1082  }
0x22: {  	[simem:s7], [sflag:s8] =	dma.local @!p0 [hbm:s6], $0xF7A  }
0x23: {  	s9 =	sor.u32 $0xD0000000, s2;
	s6 =	simm.s32 $0x108;
	_ =	swait.ge @!p0 [sflag:s8], $0x0  }
0x24: {  	s3 =	sadd.s32 $0x88, s3;
	s6 =	simm.s32 @!p1 $0x1082;
	[sflag:s4] =	ssyncset.s32 $0xFFFFF086  }
0x25: {  	[simem:s6], [sflag:s4] =	dma.local [hbm:s3], $0xF7A  }
0x26: {  	[smem:$0x3F9C] =	sst s1;
	(tag) =	ssettag s2;
	_ =	strace s9  }
0x27: {  	s1 =	sld [smem:$0x3FAC]  }
0x28: {  	s2 =	sld [smem:$0x3FAD]  }
0x29: {  	s4 =	sld [smem:$0x3FAF]  }
0x2a: {  	p0 =	seq.s32 s5, $0x0;
	s5 =	sld [smem:$0x3FB0]  }
0x2b: {  	s6 =	sld [smem:$0x3FB1]  }
0x2c: {  	s7 =	sld [smem:$0x3FB2]  }
0x2d: {  	s3 =	simm.s32 $0x108;
	s8 =	sld [smem:$0x3FB3]  }
0x2e: {  	s3 =	simm.s32 @!p0 $0x1082;
	s9 =	sld [smem:$0x3FB4]  }
0x2f: {  	lr =	sadd.s32 s0, s3;
	s0 =	sld [smem:$0x3FAB]  }
0x30: {  	s3 =	sld [smem:$0x3FAE]  }
0x31: {  	[smem:$0x3FB7] =	sst s10  }
0x32: {  	s10 =	sld [smem:$0x3FB5];
	_ =	sdelay $0x3  }
0x33: {  	p0 =	seq.s32 s10, $0x1;
	s10 =	sld [smem:$0x3FB7];
	_ =	sdelay $0x3  }
0x34: {  	[smem:$0x3FB7] =	sst s10  }
0x35: {  	s10 =	sld [smem:$0x3FB6];
	_ =	sdelay $0x3  }
0x36: {  	p1 =	seq.s32 s10, $0x1;
	s10 =	sld [smem:$0x3FB7];
	_ =	sdelay $0x3  }
0x37: {  	[smem:$0x3FB7] =	sst s10  }
0x38: {  	s10 =	sld [smem:$0x3FB8]  }
0x39: {  	_ = 	snop;
	(pc) =	sbr.ind lr, $3  }
0x3a: {  	_ = 	snop  }
0x3b: {  	_ = 	snop  }
0x3c: {  	p2 =	seq.s32 s10, $0x1;
	s10 =	sld [smem:$0x3FB7]  }
0x3d: {  	_ =	shalt  }
0x3e: {  	_ =	shalt  }
0x3f: {  	_ =	shalt  }
0x40: {  	_ =	shalt  }
0x41: {  	_ =	shalt  }
0x42: {  	_ =	shalt  }
0x43: {  	_ =	shalt  }
0x44: {  	_ =	shalt  }
0x45: {  	_ =	shalt  }
0x46: {  	_ =	shalt  }
0x47: {  	_ =	shalt  }
0x48: {  	_ =	shalt  }
0x49: {  	_ =	shalt  }
0x4a: {  	_ =	shalt  }
0x4b: {  	_ =	shalt  }
0x4c: {  	_ =	shalt  }
0x4d: {  	_ =	shalt  }
0x4e: {  	_ =	shalt  }
0x4f: {  	_ =	shalt  }
0x50: {  	_ =	shalt  }
0x51: {  	_ =	shalt  }
0x52: {  	_ =	shalt  }
0x53: {  	_ =	shalt  }
0x54: {  	_ =	shalt  }
0x55: {  	_ =	shalt  }
0x56: {  	_ =	shalt  }
0x57: {  	_ =	shalt  }
0x58: {  	_ =	shalt  }
0x59: {  	_ =	shalt  }
0x5a: {  	_ =	shalt  }
0x5b: {  	_ =	shalt  }
0x5c: {  	_ =	shalt  }
0x5d: {  	_ =	shalt  }
0x5e: {  	_ =	shalt  }
0x5f: {  	_ =	shalt  }
0x60: {  	_ =	shalt  }
0x61: {  	_ =	shalt  }
0x62: {  	_ =	shalt  }
0x63: {  	_ =	shalt  }
0x64: {  	_ =	shalt  }
0x65: {  	_ =	shalt  }
0x66: {  	_ =	shalt  }
0x67: {  	_ =	shalt  }
0x68: {  	_ =	shalt  }
0x69: {  	_ =	shalt  }
0x6a: {  	_ =	shalt  }
0x6b: {  	_ =	shalt  }
0x6c: {  	_ =	shalt  }
0x6d: {  	_ =	shalt  }
0x6e: {  	_ =	shalt  }
0x6f: {  	_ =	shalt  }
0x70: {  	_ =	shalt  }
0x71: {  	_ =	shalt  }
0x72: {  	_ =	shalt  }
0x73: {  	_ =	shalt  }
0x74: {  	_ =	shalt  }
0x75: {  	_ =	shalt  }
0x76: {  	_ =	shalt  }
0x77: {  	_ =	shalt  }
0x78: {  	_ =	shalt  }
0x79: {  	_ =	shalt  }
0x7a: {  	_ =	shalt  }
0x7b: {  	_ =	shalt  }
0x7c: {  	_ =	shalt  }
0x7d: {  	_ =	shalt  }
0x7e: {  	_ =	shalt  }
0x7f: {  	_ =	shalt  }
0x80: {  	_ =	shalt  }
0x81: {  	_ =	shalt  }
0x82: {  	_ =	shalt  }
0x83: {  	_ =	shalt  }
0x84: {  	_ =	shalt  }
0x85: {  	_ =	shalt  }
0x86: {  	_ =	shalt  }
0x87: {  	_ =	shalt  }
.Lfunc_end0:
.L_simem_size_0:
called_computation_lowered:
.L_overlay_start_0:
0x88: {  	s2 =	sld [smem:$0x3FD9]  }
0x89: {  	s3 =	sld [smem:$0x3FFE];
	_ =	sdelay $0x1  }
0x8a: {  	s1 =	srdreg.scid  }
0x8b: {  	s0 =	sand.u32 $0x1, s1  }
0x8c: {  	s14 =	sshll.u32 s0, $0xA;
	s2 =	sadd.s32 s3, s2  }
0x8d: {  	s2 =	sadd.s32 s2, s14  }
0x8e: {  	[smem:$0x3FC3] =	sst s2  }
0x8f: {  	_ = 	snop  }
0x90: {  	s2 =	sld [smem:$0x3FD0];
	_ =	sdelay $0x2  }
0x91: {  	s15 =	simm.s32 $0xA;
	s4 =	simm.s32 $0x10  }
0x92: {  	[smem:s4], [sflag:s15] =	dma.local [hbm:s2], $0x1  }
0x93: {  	_ =	swait.eq [sflag:s15], $0x1  }
0x94: {  	[sflag:s15] =	ssyncset.done $0x0  }
0x95: {  	s16 =	sld [smem:$0x11];
	[sflag:s15] =	ssyncadd.s32 $0xFFFFFFFF  }
0x96: {  	s17 =	sld [smem:$0x13];
	(tm) =	ssettm $0x1  }
0x97: {  	s18 =	sld [smem:$0x3FFB];
	_ =	sdelay $0x3  }
0x98: {  	_ =	strace s18  }
0x99: {  	s4 =	sld [smem:$0x3FFC];
	_ =	sdelay $0x3  }
0x9a: {  	_ =	strace s4  }
0x9b: {  	s4 =	sld [smem:$0x3FFD];
	_ =	sdelay $0x3  }
0x9c: {  	_ =	strace s4  }
0x9d: {  	_ =	strace $0x8FFFFFFF  }
0x9e: {  	s19 =	sld [smem:$0x3FDB];
	_ =	sdelay $0x1  }
0x9f: {  	s5 =	simm.s32 $_scs_section_size  }
0xa0: {  	s6 =	simm.s32 $_size__tile_overlayer_lowered;
	s7 =	simm.s32 $_tile_overlayer_lowered  }
0xa1: {  	s22 =	simm.s32 $0x1BFF;
	s21 =	sshll.u32 s7, $0x1;
	s4 =	sadd.s32 s5, s19  }
0xa2: {  	s8 =	simm.s32 $0x0;
	s20 =	sshll.u32 s6, $0x1;
	s6 =	sadd.s32 s21, s4  }
0xa3: {  	[timem:s8], [sflag:s22] =	dma.local [hbm:s6], s20  }
0xa4: {  	_ =	swait.ge [sflag:s22], s20  }
0xa5: {  	s5 =	ssub.s32 $0x0, s20;
	[sflag:s22] =	ssyncset.done $0x0  }
0xa6: {  	[sflag:s22] =	ssyncadd.s32 s5;
	_ =	sdelay $0x1  }
0xa7: {  	s23 =	simm.s32 $0x1B8B  }
0xa8: {  	_ =	swait.ge [sflag:s23], $0x1  }
0xa9: {  	[sflag:s23] =	ssyncset.done $0x0  }
0xaa: {  	s25 =	simm.s32 $0x1B8E;
	s24 =	sld [smem:$0x3FFE];
	[sflag:s23] =	ssyncadd.s32 $0xFFFFFFFF  }
0xab: {  	s26 =	simm.s32 $execute0_lowered;
	[smem:$0x3FD2] =	sst s25  }
0xac: {  	s6 =	sshll.u32 s26, $0x1;
	_ =	strace $0x80000046;
	[dreg:$0x1] =	wrdreg $0xFFFFFFFF  }
0xad: {  	s28 =	simm.s32 $_size_execute0_lowered;
	s4 =	sadd.s32 s4, s6;
	[dreg:$0x0] =	wrdreg $0x0  }
0xae: {  	s6 =	sshll.u32 s28, $0x1;
	[dreg:$0x2] =	wrdreg s4  }
0xaf: {  	[dreg:$0x3] =	wrdreg s6  }
0xb0: {  	[dreg:$0x4] =	wrdreg $0xC0  }
0xb1: {  	_ =	task [dreg:s8], $0x5FFFF  }
0xb2: {  	[dreg:$0x1] =	wrdreg $0xFFFFFFFF  }
0xb3: {  	[dreg:$0x0] =	wrdreg $0x60  }
0xb4: {  	[dreg:$0x2] =	wrdreg s24  }
0xb5: {  	[dreg:$0x3] =	wrdreg s17  }
0xb6: {  	[dreg:$0x4] =	wrdreg s16  }
0xb7: {  	[dreg:$0x5] =	wrdreg $0x9  }
0xb8: {  	_ =	task.clear_ibuf [dreg:s8], $0x6FFFF;
	_ =	strace $0x90000046  }
0xb9: {  	s29 =	simm.s32 $0x9;
	_ =	strace $0x80000048  }
0xba: {  	_ =	swait.ge [sflag:s29], $0x1  }
0xbb: {  	[sflag:s29] =	ssyncadd.s32 $0xFFFFFFFF  }
0xbc: {  	_ =	strace $0x90000048  }
0xbd: {  	_ =	sfence  }
0xbe: {  	s30 =	sld [smem:$0x0];
	_ =	sdelay $0x2  }
0xbf: {  	s31 =	sshll.u32 s1, $0xD;
	s1 =	sshrl.u32 s1, $0x2  }
0xc0: {  	s3 =	sand.u32 $0x4000, s31;
	s1 =	sadd.s32 s1, s30  }
0xc1: {  	s0 =	sor.u32 s3, s0;
	s1 =	sshll.u32 s1, $0x11  }
0xc2: {  	s0 =	sor.u32 s1, s0  }
0xc3: {  	s0 =	sadd.s32 $0x8F2B, s0  }
0xc4: {  	[sflag:s0] =	ssyncadd.remote.s32 $0x1  }
0xc5: {  	_ =	sfence.sel $0xFFFF  }
0xc6: {  	[dreg:$0x0] =	wrdreg $0xFFFFFFFF;
	(pc) =	sbr.abs _section_cstart, $3  }
0xc7: {  	[dreg:$0x1] =	wrdreg $0xFFFFFFFF  }
0xc8: {  	_ =	task.clear_ibuf [dreg:s8], $0x2FFFF;
	_ =	strace $0x9FFFFFFF  }
0xc9: {  	(tm) =	ssettm $0x7FFFFFFF  }
tec
execute0_lowered:
.L_overlay_start_1:
0x0: {  	(tag) =	ssettag $0x1  }
0x1: {  	s0 =	rddreg [dreg:$0x0]  }
0x2: {  	s1 =	rddreg [dreg:$0x1]  }
0x3: {  	s9 =	rddreg [dreg:$0x2];
	s2 =	simm.s32 $0x0;
	s13 =	stileid.u32  }
0x4: {  	s6 =	srdreg.scid;
	[smem:$0x7FF] =	sst s2;
	s28 =	sshll.u32 s13, $0x9  }
0x5: {  	s4 =	simm.s32 $0x2;
	_ =	strace $0x80000047;
	s3 =	sadd.s32 s1, s28  }
0x6: {  	[tilespmem:s2], [sflag:$0x2] =	stream.linear.gather [hbm4b:s3+s2], $0x1000, $0x38;
	[tilespmem:$0x2300] =	vst v63  }
0x7: {  	s5 =	sadd.s32 $0x6400, s0;
	s1 =	sand.u32 $0x1, s6;
	_ =	swait.ge [sflag:s4], $0x1000  }
0x8: {  	s6 =	sadd.s32 s5, s28;
	p0 =	seq.s32 s1, $0x1;
	[sflag:s4] =	ssyncset.done $0x0  }
0x9: {  	s7 =	simm.s32 @!p0 $0x0;
	s8 =	simm.s32 @!p0 $0x2;
	[sflag:s4] =	ssyncadd.s32 $0xFFFFF000  }
0xa: {  	[hbm4b:s6+s7] =	stream.linear.scatter @!p0 [tilespmem:s7], [sflag:$0x2], $0x1000, $0x38;
	[tilespmem:$0x2300] =	vst v63  }
0xb: {  	_ =	swait.ge @!p0 [sflag:s8], $0x1000  }
0xc: {  	[sflag:s8] =	ssyncset.done @!p0 $0x0  }
0xd: {  	s9 =	sadd.s32 s9, s28;
	s10 =	simm.s32 @!p0 $0x1000;
	[sflag:s8] =	ssyncadd.s32 @!p0 $0xFFFFF000  }
0xe: {  	[tilespmem:s10], [sflag:$0x2] =	stream.linear.gather @!p0 [hbm4b:s9+s7], $0x1000, $0x38;
	[tilespmem:$0x2300] =	vst v63  }
0xf: {  	_ =	swait.ge @!p0 [sflag:s8], $0x1000  }
0x10: {  	s11 =	sadd.s32 $0x8400, s0;
	[sflag:s8] =	ssyncset.done @!p0 $0x0  }
0x11: {  	s12 =	sadd.s32 s11, s28;
	[sflag:s8] =	ssyncadd.s32 @!p0 $0xFFFFF000  }
0x12: {  	[hbm4b:s12+s7] =	stream.linear.scatter @!p0 [tilespmem:s10], [sflag:$0x2], $0x1000, $0x38;
	[tilespmem:$0x2300] =	vst v63  }
0x13: {  	_ =	swait.ge @!p0 [sflag:s8], $0x1000  }
0x14: {  	[sflag:s8] =	ssyncset.done @!p0 $0x0  }
0x15: {  	s21 =	sadd.s32 $0x1E00, s0;
	s22 =	sshll.u32 s13, $0x5;
	[sflag:s8] =	ssyncadd.s32 @!p0 $0xFFFFF000  }
0x16: {  	s13 =	sadd.s32 s21, s22;
	s14 =	simm.s32 @!p0 $0x2000;
	[bflag:$0x0] =	sbarrier.arrive @!p0 $0xFFFF  }
0x17: {  	[tilespmem:s14], [sflag:$0x2] =	stream.linear.gather @!p0 [hbm4b:s13+s7], $0x80, $0x38;
	[tilespmem:$0x2300] =	vst v63  }
0x18: {  	_ =	swait.ge @!p0 [sflag:s8], $0x80  }
0x19: {  	s23 =	sadd.s32 $0x2000, s0;
	[sflag:s8] =	ssyncset.done @!p0 $0x0  }
0x1a: {  	s15 =	sadd.s32 s23, s22;
	s16 =	simm.s32 @!p0 $0x2100;
	[sflag:s8] =	ssyncadd.s32 @!p0 $0xFFFFFF80  }
0x1b: {  	[tilespmem:s16], [sflag:$0x2] =	stream.linear.gather @!p0 [hbm4b:s15+s7], $0x80, $0x38;
	[tilespmem:$0x2300] =	vst v63  }
0x1c: {  	_ =	swait.ge @!p0 [sflag:s8], $0x80  }
0x1d: {  	s25 =	sadd.s32 $0x2200, s0;
	[sflag:s8] =	ssyncset.done @!p0 $0x0  }
0x1e: {  	s17 =	sadd.s32 s25, s22;
	s18 =	simm.s32 @!p0 $0x2200;
	[sflag:s8] =	ssyncadd.s32 @!p0 $0xFFFFFF80  }
0x1f: {  	[tilespmem:s18], [sflag:$0x2] =	stream.linear.gather @!p0 [hbm4b:s17+s7], $0x80, $0x38;
	[tilespmem:$0x2300] =	vst v63  }
0x20: {  	_ =	swait.ge @!p0 [sflag:s8], $0x80  }
0x21: {  	[sflag:s8] =	ssyncset.done @!p0 $0x0  }
0x22: {  	s19 =	simm.s32 @!p0 $0x80;
	s20 =	simm.s32 @!p0 $0x1;
	[sflag:s8] =	ssyncadd.s32 @!p0 $0xFFFFFF80  }
0x23: {  	[hbm4b:s5+s19] =	stream.indirect.scatter @!p0 [tilespmem:s16], [sflag:$0x1], $0x1, s14, s19, $0xb8;
	[tilespmem:$0x2300] =	vst v63  }
0x24: {  	_ =	swait.ge @!p0 [sflag:s20], $0x80  }
0x25: {  	[sflag:s20] =	ssyncset.done @!p0 $0x0  }
0x26: {  	[sflag:s20] =	ssyncadd.s32 @!p0 $0xFFFFFF80  }
0x27: {  	[hbm4b:s11+s19] =	stream.indirect.scatter @!p0 [tilespmem:s18], [sflag:$0x1], $0x1, s14, s19, $0xb8;
	[tilespmem:$0x2300] =	vst v63  }
0x28: {  	_ =	swait.ge @!p0 [sflag:s20], $0x80  }
0x29: {  	s26 =	sor.u32 $0x10, s22;
	[sflag:s20] =	ssyncset.done @!p0 $0x0  }
0x2a: {  	s21 =	sadd.s32 s21, s26;
	s22 =	simm.s32 @!p0 $0x2080;
	[sflag:s20] =	ssyncadd.s32 @!p0 $0xFFFFFF80  }
0x2b: {  	[tilespmem:s22], [sflag:$0x2] =	stream.linear.gather @!p0 [hbm4b:s21+s7], $0x80, $0x38;
	[tilespmem:$0x2300] =	vst v63  }
0x2c: {  	_ =	swait.ge @!p0 [sflag:s8], $0x80  }
0x2d: {  	[sflag:s8] =	ssyncset.done @!p0 $0x0  }
0x2e: {  	s23 =	sadd.s32 s23, s26;
	s24 =	simm.s32 @!p0 $0x2180;
	[sflag:s8] =	ssyncadd.s32 @!p0 $0xFFFFFF80  }
0x2f: {  	[tilespmem:s24], [sflag:$0x2] =	stream.linear.gather @!p0 [hbm4b:s23+s7], $0x80, $0x38;
	[tilespmem:$0x2300] =	vst v63  }
0x30: {  	_ =	swait.ge @!p0 [sflag:s8], $0x80  }
0x31: {  	[sflag:s8] =	ssyncset.done @!p0 $0x0  }
0x32: {  	s25 =	sadd.s32 s25, s26;
	s26 =	simm.s32 @!p0 $0x2280;
	[sflag:s8] =	ssyncadd.s32 @!p0 $0xFFFFFF80  }
0x33: {  	[tilespmem:s26], [sflag:$0x2] =	stream.linear.gather @!p0 [hbm4b:s25+s7], $0x80, $0x38;
	[tilespmem:$0x2300] =	vst v63  }
0x34: {  	_ =	swait.ge @!p0 [sflag:s8], $0x80  }
0x35: {  	[sflag:s8] =	ssyncset.done @!p0 $0x0  }
0x36: {  	[sflag:s8] =	ssyncadd.s32 @!p0 $0xFFFFFF80  }
0x37: {  	[hbm4b:s5+s19] =	stream.indirect.scatter @!p0 [tilespmem:s24], [sflag:$0x1], $0x1, s22, s19, $0xb8;
	[tilespmem:$0x2300] =	vst v63  }
0x38: {  	_ =	swait.ge @!p0 [sflag:s20], $0x80  }
0x39: {  	[sflag:s20] =	ssyncset.done @!p0 $0x0  }
0x3a: {  	s0 =	sadd.s32 s28, s0;
	[sflag:s20] =	ssyncadd.s32 @!p0 $0xFFFFFF80  }
0x3b: {  	[hbm4b:s11+s19] =	stream.indirect.scatter @!p0 [tilespmem:s26], [sflag:$0x1], $0x1, s22, s19, $0xb8;
	[tilespmem:$0x2300] =	vst v63  }
0x3c: {  	s29 =	sadd.s32 $0x2400, s0;
	s1 =	ssub.s32 $0x2, s1;
	_ =	swait.ge @!p0 [sflag:s20], $0x80  }
0x3d: {  	s30 =	simm.s32 @p0 $0x0;
	s28 =	simm.s32 @p0 $0x2;
	[sflag:s20] =	ssyncset.done @!p0 $0x0  }
0x3e: {  	[dreg:$0x4] =	wrdreg s0;
	s0 =	sshrl.u32 s1, $0x1;
	[sflag:s20] =	ssyncadd.s32 @!p0 $0xFFFFFF80  }
0x3f: {  	[hbm4b:s29+s30] =	stream.linear.scatter @p0 [tilespmem:s30], [sflag:$0x2], $0x1000, $0x38;
	[tilespmem:$0x2300] =	vst v63  }
0x40: {  	s0 =	ssub.s32 s1, s0;
	_ =	swait.ge @p0 [sflag:s28], $0x1000  }
0x41: {  	s1 =	smax.u32 s0, $0x1;
	[sflag:s28] =	ssyncset.done @p0 $0x0  }
0x42: {  	s31 =	simm.s32 @p0 $0x1000;
	s1 =	sadd.s32 $0xFFFFFFFF, s1;
	[sflag:s28] =	ssyncadd.s32 @p0 $0xFFFFF000  }
0x43: {  	[tilespmem:s31], [sflag:$0x2] =	stream.linear.gather @p0 [hbm4b:s9+s30], $0x1000, $0x38;
	[tilespmem:$0x2300] =	vst v63  }
0x44: {  	p1 =	sne.s32 s1, $0x0;
	_ =	swait.ge @p0 [sflag:s28], $0x1000  }
.Ltmp0:
0x45: {  	[sflag:s28] =	ssyncset.done @p0 $0x0;
	s0 =	rddreg [dreg:$0x4];
	(pc) =	sbr.rel @!p1 .LBB2_2-.Ltmp0, $4  }
0x46: {  	s0 =	sadd.s32 $0x4400, s0;
	[sflag:s28] =	ssyncadd.s32 @p0 $0xFFFFF000  }
0x47: {  	[hbm4b:s0+s30] =	stream.linear.scatter @p0 [tilespmem:s31], [sflag:$0x2], $0x1000, $0x38;
	[tilespmem:$0x2300] =	vst v63  }
0x48: {  	_ =	swait.ge @p0 [sflag:s28], $0x1000  }
0x49: {  	[sflag:s28] =	ssyncset.done @p0 $0x0  }
.LBB2_1:
0x4a: {  	s1 =	sadd.s32 $0xFFFFFFFF, s1;
	[sflag:s28] =	ssyncadd.s32 @p0 $0xFFFFF000  }
0x4b: {  	[tilespmem:s2], [sflag:$0x2] =	stream.linear.gather [hbm4b:s3+s2], $0x1000, $0x38;
	[tilespmem:$0x2300] =	vst v63  }
0x4c: {  	p1 =	sne.s32 s1, $0x0;
	_ =	swait.ge [sflag:s4], $0x1000  }
0x4d: {  	[sflag:s4] =	ssyncset.done $0x0  }
0x4e: {  	[sflag:s4] =	ssyncadd.s32 $0xFFFFF000  }
0x4f: {  	[hbm4b:s6+s7] =	stream.linear.scatter @!p0 [tilespmem:s7], [sflag:$0x2], $0x1000, $0x38;
	[tilespmem:$0x2300] =	vst v63  }
0x50: {  	_ =	swait.ge @!p0 [sflag:s8], $0x1000  }
0x51: {  	[sflag:s8] =	ssyncset.done @!p0 $0x0  }
0x52: {  	[sflag:s8] =	ssyncadd.s32 @!p0 $0xFFFFF000  }
0x53: {  	[tilespmem:s10], [sflag:$0x2] =	stream.linear.gather @!p0 [hbm4b:s9+s7], $0x1000, $0x38;
	[tilespmem:$0x2300] =	vst v63  }
0x54: {  	_ =	swait.ge @!p0 [sflag:s8], $0x1000  }
0x55: {  	[sflag:s8] =	ssyncset.done @!p0 $0x0  }
0x56: {  	[sflag:s8] =	ssyncadd.s32 @!p0 $0xFFFFF000  }
0x57: {  	[hbm4b:s12+s7] =	stream.linear.scatter @!p0 [tilespmem:s10], [sflag:$0x2], $0x1000, $0x38;
	[tilespmem:$0x2300] =	vst v63  }
0x58: {  	_ =	swait.ge @!p0 [sflag:s8], $0x1000  }
0x59: {  	[sflag:s8] =	ssyncset.done @!p0 $0x0  }
0x5a: {  	[sflag:s8] =	ssyncadd.s32 @!p0 $0xFFFFF000  }
0x5b: {  	[bflag:$0x0] =	sbarrier.arrive @!p0 $0xFFFF  }
0x5c: {  	[tilespmem:s14], [sflag:$0x2] =	stream.linear.gather @!p0 [hbm4b:s13+s7], $0x80, $0x38;
	[tilespmem:$0x2300] =	vst v63  }
0x5d: {  	_ =	swait.ge @!p0 [sflag:s8], $0x80  }
0x5e: {  	[sflag:s8] =	ssyncset.done @!p0 $0x0  }
0x5f: {  	[sflag:s8] =	ssyncadd.s32 @!p0 $0xFFFFFF80  }
0x60: {  	[tilespmem:s16], [sflag:$0x2] =	stream.linear.gather @!p0 [hbm4b:s15+s7], $0x80, $0x38;
	[tilespmem:$0x2300] =	vst v63  }
0x61: {  	_ =	swait.ge @!p0 [sflag:s8], $0x80  }
0x62: {  	[sflag:s8] =	ssyncset.done @!p0 $0x0  }
0x63: {  	[sflag:s8] =	ssyncadd.s32 @!p0 $0xFFFFFF80  }
0x64: {  	[tilespmem:s18], [sflag:$0x2] =	stream.linear.gather @!p0 [hbm4b:s17+s7], $0x80, $0x38;
	[tilespmem:$0x2300] =	vst v63  }
0x65: {  	_ =	swait.ge @!p0 [sflag:s8], $0x80  }
0x66: {  	[sflag:s8] =	ssyncset.done @!p0 $0x0  }
0x67: {  	[sflag:s8] =	ssyncadd.s32 @!p0 $0xFFFFFF80  }
0x68: {  	[hbm4b:s5+s19] =	stream.indirect.scatter @!p0 [tilespmem:s16], [sflag:$0x1], $0x1, s14, s19, $0xb8;
	[tilespmem:$0x2300] =	vst v63  }
0x69: {  	_ =	swait.ge @!p0 [sflag:s20], $0x80  }
0x6a: {  	[sflag:s20] =	ssyncset.done @!p0 $0x0  }
0x6b: {  	[sflag:s20] =	ssyncadd.s32 @!p0 $0xFFFFFF80  }
0x6c: {  	[hbm4b:s11+s19] =	stream.indirect.scatter @!p0 [tilespmem:s18], [sflag:$0x1], $0x1, s14, s19, $0xb8;
	[tilespmem:$0x2300] =	vst v63  }
0x6d: {  	_ =	swait.ge @!p0 [sflag:s20], $0x80  }
0x6e: {  	[sflag:s20] =	ssyncset.done @!p0 $0x0  }
0x6f: {  	[sflag:s20] =	ssyncadd.s32 @!p0 $0xFFFFFF80  }
0x70: {  	[tilespmem:s22], [sflag:$0x2] =	stream.linear.gather @!p0 [hbm4b:s21+s7], $0x80, $0x38;
	[tilespmem:$0x2300] =	vst v63  }
0x71: {  	_ =	swait.ge @!p0 [sflag:s8], $0x80  }
0x72: {  	[sflag:s8] =	ssyncset.done @!p0 $0x0  }
0x73: {  	[sflag:s8] =	ssyncadd.s32 @!p0 $0xFFFFFF80  }
0x74: {  	[tilespmem:s24], [sflag:$0x2] =	stream.linear.gather @!p0 [hbm4b:s23+s7], $0x80, $0x38;
	[tilespmem:$0x2300] =	vst v63  }
0x75: {  	_ =	swait.ge @!p0 [sflag:s8], $0x80  }
0x76: {  	[sflag:s8] =	ssyncset.done @!p0 $0x0  }
0x77: {  	[sflag:s8] =	ssyncadd.s32 @!p0 $0xFFFFFF80  }
0x78: {  	[tilespmem:s26], [sflag:$0x2] =	stream.linear.gather @!p0 [hbm4b:s25+s7], $0x80, $0x38;
	[tilespmem:$0x2300] =	vst v63  }
0x79: {  	_ =	swait.ge @!p0 [sflag:s8], $0x80  }
0x7a: {  	[sflag:s8] =	ssyncset.done @!p0 $0x0  }
0x7b: {  	[sflag:s8] =	ssyncadd.s32 @!p0 $0xFFFFFF80  }
0x7c: {  	[hbm4b:s5+s19] =	stream.indirect.scatter @!p0 [tilespmem:s24], [sflag:$0x1], $0x1, s22, s19, $0xb8;
	[tilespmem:$0x2300] =	vst v63  }
0x7d: {  	_ =	swait.ge @!p0 [sflag:s20], $0x80  }
0x7e: {  	[sflag:s20] =	ssyncset.done @!p0 $0x0  }
0x7f: {  	[sflag:s20] =	ssyncadd.s32 @!p0 $0xFFFFFF80  }
0x80: {  	[hbm4b:s11+s19] =	stream.indirect.scatter @!p0 [tilespmem:s26], [sflag:$0x1], $0x1, s22, s19, $0xb8;
	[tilespmem:$0x2300] =	vst v63  }
0x81: {  	_ =	swait.ge @!p0 [sflag:s20], $0x80  }
0x82: {  	[sflag:s20] =	ssyncset.done @!p0 $0x0  }
0x83: {  	[sflag:s20] =	ssyncadd.s32 @!p0 $0xFFFFFF80  }
0x84: {  	[hbm4b:s29+s30] =	stream.linear.scatter @p0 [tilespmem:s30], [sflag:$0x2], $0x1000, $0x38;
	[tilespmem:$0x2300] =	vst v63  }
0x85: {  	_ =	swait.ge @p0 [sflag:s28], $0x1000  }
0x86: {  	[sflag:s28] =	ssyncset.done @p0 $0x0  }
0x87: {  	[sflag:s28] =	ssyncadd.s32 @p0 $0xFFFFF000  }
0x88: {  	[tilespmem:s31], [sflag:$0x2] =	stream.linear.gather @p0 [hbm4b:s9+s30], $0x1000, $0x38;
	[tilespmem:$0x2300] =	vst v63  }
0x89: {  	_ =	swait.ge @p0 [sflag:s28], $0x1000  }
.Ltmp1:
0x8a: {  	[sflag:s28] =	ssyncset.done @p0 $0x0;
	(pc) =	sbr.rel @p1 .LBB2_1-.Ltmp1, $4  }
0x8b: {  	[sflag:s28] =	ssyncadd.s32 @p0 $0xFFFFF000  }
0x8c: {  	[hbm4b:s0+s30] =	stream.linear.scatter @p0 [tilespmem:s31], [sflag:$0x2], $0x1000, $0x38;
	[tilespmem:$0x2300] =	vst v63  }
0x8d: {  	_ =	swait.ge @p0 [sflag:s28], $0x1000  }
0x8e: {  	[sflag:s28] =	ssyncset.done @p0 $0x0  }
.LBB2_2:
0x8f: {  	[sflag:s28] =	ssyncadd.s32 @p0 $0xFFFFF000  }
0x90: {  	_ =	sfence.sel $0x180000  }
0x91: {  	[bflag:$0x0] =	sbarrier.arrive $0xFFFF  }
0x92: {  	_ =	strace $0x90000047  }
0x93: {  	s0 =	stileid.u32;
	[bflag:$0x2] =	sbarrier.arrive $0xFFFF  }
0x94: {  	p0 =	sne.s32 s0, $0x0;
	s0 =	rddreg [dreg:$0x3]  }
0x95: {  	s0 =	sadd.s32 @!p0 $0x100000, s0  }
0x96: {  	[sflag:s0] =	ssyncadd.tile.s32 @!p0 $0x1;
	_ =	shalt  }
.Lfunc_end2:
_tile_overlayer_lowered:
.L_overlay_start_2:
0x97: {  	(tag) =	ssettag $0x2  }
0x98: {  	s0 =	rddreg [dreg:$0x0];
	s2 =	stileid.u32  }
0x99: {  	s1 =	rddreg [dreg:$0x1];
	p0 =	sne.s32 s2, $0x0  }
0x9a: {  	s3 =	rddreg [dreg:$0x2];
	[bflag:$0x3] =	sbarrier.arrive $0xFFFF;
	s2 =	simm.s32 @!p0 $0x1C02  }
0x9b: {  	[timem:s3], [sflag:s2] =	dma.local @!p0 [hbm:s0], s1  }
0x9c: {  	s0 =	simm.s32 @!p0 $0x2  }
0x9d: {  	_ =	swait.ge @!p0 [sflag:s0], s1  }
0x9e: {  	s1 =	ssub.s32 @!p0 $0x0, s1;
	[sflag:s0] =	ssyncset.done @!p0 $0x0  }
0x9f: {  	[sflag:s0] =	ssyncadd.s32 @!p0 s1  }
0xa0: {  	[bflag:$0x3] =	sbarrier.arrive $0xFFFF  }
0xa1: {  	_ =	shalt  }

</sc_bundles>
